<compile_context>
chip_gen: v7x
topology: tpu7x:2x2x1
jax: 0.10.2.dev20260603
libtpu: 0.0.44.dev20260713+nightly
codegen_flags: <defaults>
</compile_context>

<pallas_src>
import functools

import jax
import jax.numpy as jnp
from jax import lax
from jax.experimental import pallas as pl
from jax.experimental.pallas import tpu as pltpu
from jax.experimental.pallas import tpu_sc as plsc

B, C, H, W = 4, 96, 384, 384
BC = B * C
HW = H * W
K = 4096
NC, NS = 2, 16
NW = NC * NS
PPW = BC // NW
CH = 128
NCHUNK = K // CH
LANES = 16


@jax.jit
def _sc_gather(xt, loc):
    mesh = plsc.VectorSubcoreMesh(core_axis_name="c", subcore_axis_name="s")

    @functools.partial(
        pl.kernel,
        out_type=jax.ShapeDtypeStruct((BC, K), jnp.float32),
        compiler_params=pltpu.CompilerParams(use_tc_tiling_on_sc=False),
        mesh=mesh,
        scratch_types=[
            pltpu.VMEM((2, K), jnp.int32),
            pltpu.VMEM((K,), jnp.int32),
            pltpu.VMEM((PPW, K), jnp.float32),
            pltpu.SemaphoreType.DMA,
        ],
    )
    def k(x_hbm, loc_hbm, out_hbm, loc_v, idx_v, gat_v, gsem):
        wid = lax.axis_index("s") * NC + lax.axis_index("c")
        pltpu.sync_copy(loc_hbm, loc_v)

        def cbody(i, _):
            s = pl.multiple_of(i * LANES, LANES)
            v0 = loc_v[0, pl.ds(s, LANES)]
            v1 = loc_v[1, pl.ds(s, LANES)]
            idx_v[pl.ds(s, LANES)] = v0 * W + v1
            return ()

        lax.fori_loop(0, K // LANES, cbody, ())

        base = wid * PPW
        for p in range(PPW):
            pltpu.async_copy(x_hbm.at[base + p].at[idx_v], gat_v.at[p], gsem)
        for p in range(PPW):
            pltpu.make_async_copy(x_hbm.at[base + p].at[idx_v], gat_v.at[p],
                                  gsem).wait()
        pltpu.sync_copy(gat_v, out_hbm.at[pl.ds(base, PPW)])

    return k(xt, loc)


def kernel(x, loc):
    xt = x.reshape(BC, HW)
    out = _sc_gather(xt, loc.astype(jnp.int32))
    return out.reshape(B, C, K)

# --- scband reference (transcript-rebuilt; emitter-appended) ---
"""Pipeline reference for scband-loss-mask-12275016532331 (READ-ONLY COPY).

The authoritative reference and input builder live on the scoring server;
editing this copy changes nothing except your own understanding.
"""

import jax, jax.numpy as jnp
import numpy as np


def setup_inputs(seed: int = 0) -> dict:
    key = jax.random.key(seed)
    k1, k2 = jax.random.split(key)
    x = jax.random.normal(k1, (4, 96, 384, 384), dtype=jnp.float32)
    loc = jax.random.randint(k2, (2, 4096), 0, 384, dtype=jnp.int64)
    return {"x": x, "loc": loc}


def reference(x, loc):
    # training-mode path: advanced indexing gather over spatial dims
    # output shape [B, C, K]
    return x[:, :, loc[0], loc[1]]

if __name__ == "__main__":
    import jax
    _d = setup_inputs()
    print(jax.jit(kernel)(*tuple(_d.values())))

</pallas_src>

<mosaic_0001>
#map = affine_map<(d0, d1) -> (0, 0)>
module attributes {stable_mosaic.version = 14 : i64} {
  func.func @k(%arg0: i32, %arg1: i32, %arg2: memref<384x147456xf32, #tpu.memory_space<hbm>>, %arg3: memref<2x4096xi32, #tpu.memory_space<hbm>>, %arg4: memref<384x4096xf32, #tpu.memory_space<hbm>>, %arg5: memref<2x4096xi32, #tpu.memory_space<vmem>>, %arg6: memref<4096xi32, #tpu.memory_space<vmem>>, %arg7: memref<12x4096xf32, #tpu.memory_space<vmem>>, %arg8: memref<!tpu.dma_semaphore, #tpu.memory_space<semaphore_mem>>) attributes {dimension_semantics = [#tpu.dimension_semantics<core_parallel>, #tpu.dimension_semantics<subcore_parallel>], iteration_bounds = array<i64: 2, 16>, scalar_prefetch = 0 : i64, scratch_operands = 4 : i64, tpu.core_type = #tpu.core_type<sc_vector_subcore>, window_params = [{transform_indices = #map}, {transform_indices = #map}, {transform_indices = #map}]} {
    %mul3A = arith.constant 2 : i32
    %mul3A_0 = arith.muli %arg1, %mul3A : i32
    %add3A = arith.addi %mul3A_0, %arg0 : i32
    "tpu.region"() ({
      %run_scoped3A = tpu.sem_alloc : memref<!tpu.dma_semaphore, #tpu.memory_space<semaphore_mem>>
      tpu.enqueue_dma source(%arg3 : memref<2x4096xi32, #tpu.memory_space<hbm>>) target(%arg5 : memref<2x4096xi32, #tpu.memory_space<vmem>>) target_semaphore(%run_scoped3A : memref<!tpu.dma_semaphore, #tpu.memory_space<semaphore_mem>>)
      tpu.wait_dma2 semaphore(%run_scoped3A : memref<!tpu.dma_semaphore, #tpu.memory_space<semaphore_mem>>) src(%arg3 : memref<2x4096xi32, #tpu.memory_space<hbm>>) dst(%arg5 : memref<2x4096xi32, #tpu.memory_space<vmem>>)
      tpu.yield
    }) : () -> ()
    %scan3A = arith.constant 0 : i32
    %scan3A_1 = arith.constant 256 : i32
    %scan3A_2 = arith.addi %scan3A, %scan3A_1 : i32
    %scan3A_3 = arith.constant 1 : i32
    scf.for %scan3A_269 = %scan3A to %scan3A_2 step %scan3A_3  : i32 {
      %mul3A_270 = arith.constant 16 : i32
      %mul3A_271 = arith.muli %scan3A_269, %mul3A_270 : i32
      %multiple_of3A = tpu.assume_multiple %mul3A_271, 16 : i32
      %get3A = arith.constant 0 : i32
      %get3A_272 = arith.index_cast %get3A : i32 to index
      %get3A_273 = arith.index_cast %multiple_of3A : i32 to index
      %get3A_274 = tpu.vector_load %arg5[%get3A_272, %get3A_273] {strides = array<i32>} : memref<2x4096xi32, #tpu.memory_space<vmem>>, vector<1x16xi32>,
      %get3A_275 = vector.shape_cast %get3A_274 : vector<1x16xi32> to vector<16xi32>
      %get3A_276 = arith.constant 1 : i32
      %get3A_277 = arith.index_cast %get3A_276 : i32 to index
      %get3A_278 = arith.index_cast %multiple_of3A : i32 to index
      %get3A_279 = tpu.vector_load %arg5[%get3A_277, %get3A_278] {strides = array<i32>} : memref<2x4096xi32, #tpu.memory_space<vmem>>, vector<1x16xi32>,
      %get3A_280 = vector.shape_cast %get3A_279 : vector<1x16xi32> to vector<16xi32>
      %mul3A_281 = arith.constant 384 : i32
      %mul3A_282 = vector.broadcast %mul3A_281 : i32 to vector<16xi32>
      %mul3A_283 = arith.muli %get3A_275, %mul3A_282 : vector<16xi32>
      %add3A_284 = arith.addi %mul3A_283, %get3A_280 : vector<16xi32>
      %swap3A = arith.index_cast %multiple_of3A : i32 to index
      %swap3A_285 = tpu.vector_load %arg6[%swap3A] {strides = array<i32>} : memref<4096xi32, #tpu.memory_space<vmem>>, vector<16xi32>,
      %swap3A_286 = vector.shape_cast %swap3A_285 : vector<16xi32> to vector<16xi32>
      %swap3A_287 = vector.shape_cast %add3A_284 : vector<16xi32> to vector<16xi32>
      tpu.vector_store %arg6[%swap3A], %swap3A_287 {strides = array<i32>} : memref<4096xi32, #tpu.memory_space<vmem>>, vector<16xi32>,
    }
    %scan3A_4 = arith.constant 256 : i32
    %mul3A_5 = arith.constant 12 : i32
    %mul3A_6 = arith.muli %add3A, %mul3A_5 : i32
    %add3A_7 = arith.constant 0 : i32
    %add3A_8 = arith.addi %mul3A_6, %add3A_7 : i32
    %dma_start3A = arith.constant 0 : i32
    %dma_start3A_9 = arith.constant 0 : i32
    %dma_start3A_10 = tpu.memref_slice %arg7[%dma_start3A, %dma_start3A_9] : memref<12x4096xf32, #tpu.memory_space<vmem>> -> memref<1x4096xf32, #tpu.memory_space<vmem>>
    %dma_start3A_11 = tpu.memref_squeeze %dma_start3A_10 : memref<1x4096xf32, #tpu.memory_space<vmem>> -> memref<4096xf32, #tpu.memory_space<vmem>>
    %dma_start3A_12 = arith.constant 0 : i32
    %dma_start3A_13 = tpu.memref_slice %arg2[%add3A_8, %dma_start3A_12] : memref<384x147456xf32, #tpu.memory_space<hbm>> -> memref<1x147456xf32, #tpu.memory_space<hbm>>
    %dma_start3A_14 = tpu.memref_squeeze %dma_start3A_13 : memref<1x147456xf32, #tpu.memory_space<hbm>> -> memref<147456xf32, #tpu.memory_space<hbm>>
    %dma_start3A_15 = arith.constant 0 : i32
    %dma_start3A_16 = tpu.memref_slice %dma_start3A_14[%dma_start3A_15] : memref<147456xf32, #tpu.memory_space<hbm>> -> memref<147456xf32, #tpu.memory_space<hbm>>
    tpu.enqueue_indirect_dma source(%dma_start3A_16 : memref<147456xf32, #tpu.memory_space<hbm>>) target(%dma_start3A_11 : memref<4096xf32, #tpu.memory_space<vmem>>) offsets(%arg6 : memref<4096xi32, #tpu.memory_space<vmem>>) semaphore(%arg8 : memref<!tpu.dma_semaphore, #tpu.memory_space<semaphore_mem>>)
    %add3A_17 = arith.constant 1 : i32
    %add3A_18 = arith.addi %mul3A_6, %add3A_17 : i32
    %dma_start3A_19 = arith.constant 1 : i32
    %dma_start3A_20 = arith.constant 0 : i32
    %dma_start3A_21 = tpu.memref_slice %arg7[%dma_start3A_19, %dma_start3A_20] : memref<12x4096xf32, #tpu.memory_space<vmem>> -> memref<1x4096xf32, #tpu.memory_space<vmem>>
    %dma_start3A_22 = tpu.memref_squeeze %dma_start3A_21 : memref<1x4096xf32, #tpu.memory_space<vmem>> -> memref<4096xf32, #tpu.memory_space<vmem>>
    %dma_start3A_23 = arith.constant 0 : i32
    %dma_start3A_24 = tpu.memref_slice %arg2[%add3A_18, %dma_start3A_23] : memref<384x147456xf32, #tpu.memory_space<hbm>> -> memref<1x147456xf32, #tpu.memory_space<hbm>>
    %dma_start3A_25 = tpu.memref_squeeze %dma_start3A_24 : memref<1x147456xf32, #tpu.memory_space<hbm>> -> memref<147456xf32, #tpu.memory_space<hbm>>
    %dma_start3A_26 = arith.constant 0 : i32
    %dma_start3A_27 = tpu.memref_slice %dma_start3A_25[%dma_start3A_26] : memref<147456xf32, #tpu.memory_space<hbm>> -> memref<147456xf32, #tpu.memory_space<hbm>>
    tpu.enqueue_indirect_dma source(%dma_start3A_27 : memref<147456xf32, #tpu.memory_space<hbm>>) target(%dma_start3A_22 : memref<4096xf32, #tpu.memory_space<vmem>>) offsets(%arg6 : memref<4096xi32, #tpu.memory_space<vmem>>) semaphore(%arg8 : memref<!tpu.dma_semaphore, #tpu.memory_space<semaphore_mem>>)
    %add3A_28 = arith.constant 2 : i32
    %add3A_29 = arith.addi %mul3A_6, %add3A_28 : i32
    %dma_start3A_30 = arith.constant 2 : i32
    %dma_start3A_31 = arith.constant 0 : i32
    %dma_start3A_32 = tpu.memref_slice %arg7[%dma_start3A_30, %dma_start3A_31] : memref<12x4096xf32, #tpu.memory_space<vmem>> -> memref<1x4096xf32, #tpu.memory_space<vmem>>
    %dma_start3A_33 = tpu.memref_squeeze %dma_start3A_32 : memref<1x4096xf32, #tpu.memory_space<vmem>> -> memref<4096xf32, #tpu.memory_space<vmem>>
    %dma_start3A_34 = arith.constant 0 : i32
    %dma_start3A_35 = tpu.memref_slice %arg2[%add3A_29, %dma_start3A_34] : memref<384x147456xf32, #tpu.memory_space<hbm>> -> memref<1x147456xf32, #tpu.memory_space<hbm>>
    %dma_start3A_36 = tpu.memref_squeeze %dma_start3A_35 : memref<1x147456xf32, #tpu.memory_space<hbm>> -> memref<147456xf32, #tpu.memory_space<hbm>>
    %dma_start3A_37 = arith.constant 0 : i32
    %dma_start3A_38 = tpu.memref_slice %dma_start3A_36[%dma_start3A_37] : memref<147456xf32, #tpu.memory_space<hbm>> -> memref<147456xf32, #tpu.memory_space<hbm>>
    tpu.enqueue_indirect_dma source(%dma_start3A_38 : memref<147456xf32, #tpu.memory_space<hbm>>) target(%dma_start3A_33 : memref<4096xf32, #tpu.memory_space<vmem>>) offsets(%arg6 : memref<4096xi32, #tpu.memory_space<vmem>>) semaphore(%arg8 : memref<!tpu.dma_semaphore, #tpu.memory_space<semaphore_mem>>)
    %add3A_39 = arith.constant 3 : i32
    %add3A_40 = arith.addi %mul3A_6, %add3A_39 : i32
    %dma_start3A_41 = arith.constant 3 : i32
    %dma_start3A_42 = arith.constant 0 : i32
    %dma_start3A_43 = tpu.memref_slice %arg7[%dma_start3A_41, %dma_start3A_42] : memref<12x4096xf32, #tpu.memory_space<vmem>> -> memref<1x4096xf32, #tpu.memory_space<vmem>>
    %dma_start3A_44 = tpu.memref_squeeze %dma_start3A_43 : memref<1x4096xf32, #tpu.memory_space<vmem>> -> memref<4096xf32, #tpu.memory_space<vmem>>
    %dma_start3A_45 = arith.constant 0 : i32
    %dma_start3A_46 = tpu.memref_slice %arg2[%add3A_40, %dma_start3A_45] : memref<384x147456xf32, #tpu.memory_space<hbm>> -> memref<1x147456xf32, #tpu.memory_space<hbm>>
    %dma_start3A_47 = tpu.memref_squeeze %dma_start3A_46 : memref<1x147456xf32, #tpu.memory_space<hbm>> -> memref<147456xf32, #tpu.memory_space<hbm>>
    %dma_start3A_48 = arith.constant 0 : i32
    %dma_start3A_49 = tpu.memref_slice %dma_start3A_47[%dma_start3A_48] : memref<147456xf32, #tpu.memory_space<hbm>> -> memref<147456xf32, #tpu.memory_space<hbm>>
    tpu.enqueue_indirect_dma source(%dma_start3A_49 : memref<147456xf32, #tpu.memory_space<hbm>>) target(%dma_start3A_44 : memref<4096xf32, #tpu.memory_space<vmem>>) offsets(%arg6 : memref<4096xi32, #tpu.memory_space<vmem>>) semaphore(%arg8 : memref<!tpu.dma_semaphore, #tpu.memory_space<semaphore_mem>>)
    %add3A_50 = arith.constant 4 : i32
    %add3A_51 = arith.addi %mul3A_6, %add3A_50 : i32
    %dma_start3A_52 = arith.constant 4 : i32
    %dma_start3A_53 = arith.constant 0 : i32
    %dma_start3A_54 = tpu.memref_slice %arg7[%dma_start3A_52, %dma_start3A_53] : memref<12x4096xf32, #tpu.memory_space<vmem>> -> memref<1x4096xf32, #tpu.memory_space<vmem>>
    %dma_start3A_55 = tpu.memref_squeeze %dma_start3A_54 : memref<1x4096xf32, #tpu.memory_space<vmem>> -> memref<4096xf32, #tpu.memory_space<vmem>>
    %dma_start3A_56 = arith.constant 0 : i32
    %dma_start3A_57 = tpu.memref_slice %arg2[%add3A_51, %dma_start3A_56] : memref<384x147456xf32, #tpu.memory_space<hbm>> -> memref<1x147456xf32, #tpu.memory_space<hbm>>
    %dma_start3A_58 = tpu.memref_squeeze %dma_start3A_57 : memref<1x147456xf32, #tpu.memory_space<hbm>> -> memref<147456xf32, #tpu.memory_space<hbm>>
    %dma_start3A_59 = arith.constant 0 : i32
    %dma_start3A_60 = tpu.memref_slice %dma_start3A_58[%dma_start3A_59] : memref<147456xf32, #tpu.memory_space<hbm>> -> memref<147456xf32, #tpu.memory_space<hbm>>
    tpu.enqueue_indirect_dma source(%dma_start3A_60 : memref<147456xf32, #tpu.memory_space<hbm>>) target(%dma_start3A_55 : memref<4096xf32, #tpu.memory_space<vmem>>) offsets(%arg6 : memref<4096xi32, #tpu.memory_space<vmem>>) semaphore(%arg8 : memref<!tpu.dma_semaphore, #tpu.memory_space<semaphore_mem>>)
    %add3A_61 = arith.constant 5 : i32
    %add3A_62 = arith.addi %mul3A_6, %add3A_61 : i32
    %dma_start3A_63 = arith.constant 5 : i32
    %dma_start3A_64 = arith.constant 0 : i32
    %dma_start3A_65 = tpu.memref_slice %arg7[%dma_start3A_63, %dma_start3A_64] : memref<12x4096xf32, #tpu.memory_space<vmem>> -> memref<1x4096xf32, #tpu.memory_space<vmem>>
    %dma_start3A_66 = tpu.memref_squeeze %dma_start3A_65 : memref<1x4096xf32, #tpu.memory_space<vmem>> -> memref<4096xf32, #tpu.memory_space<vmem>>
    %dma_start3A_67 = arith.constant 0 : i32
    %dma_start3A_68 = tpu.memref_slice %arg2[%add3A_62, %dma_start3A_67] : memref<384x147456xf32, #tpu.memory_space<hbm>> -> memref<1x147456xf32, #tpu.memory_space<hbm>>
    %dma_start3A_69 = tpu.memref_squeeze %dma_start3A_68 : memref<1x147456xf32, #tpu.memory_space<hbm>> -> memref<147456xf32, #tpu.memory_space<hbm>>
    %dma_start3A_70 = arith.constant 0 : i32
    %dma_start3A_71 = tpu.memref_slice %dma_start3A_69[%dma_start3A_70] : memref<147456xf32, #tpu.memory_space<hbm>> -> memref<147456xf32, #tpu.memory_space<hbm>>
    tpu.enqueue_indirect_dma source(%dma_start3A_71 : memref<147456xf32, #tpu.memory_space<hbm>>) target(%dma_start3A_66 : memref<4096xf32, #tpu.memory_space<vmem>>) offsets(%arg6 : memref<4096xi32, #tpu.memory_space<vmem>>) semaphore(%arg8 : memref<!tpu.dma_semaphore, #tpu.memory_space<semaphore_mem>>)
    %add3A_72 = arith.constant 6 : i32
    %add3A_73 = arith.addi %mul3A_6, %add3A_72 : i32
    %dma_start3A_74 = arith.constant 6 : i32
    %dma_start3A_75 = arith.constant 0 : i32
    %dma_start3A_76 = tpu.memref_slice %arg7[%dma_start3A_74, %dma_start3A_75] : memref<12x4096xf32, #tpu.memory_space<vmem>> -> memref<1x4096xf32, #tpu.memory_space<vmem>>
    %dma_start3A_77 = tpu.memref_squeeze %dma_start3A_76 : memref<1x4096xf32, #tpu.memory_space<vmem>> -> memref<4096xf32, #tpu.memory_space<vmem>>
    %dma_start3A_78 = arith.constant 0 : i32
    %dma_start3A_79 = tpu.memref_slice %arg2[%add3A_73, %dma_start3A_78] : memref<384x147456xf32, #tpu.memory_space<hbm>> -> memref<1x147456xf32, #tpu.memory_space<hbm>>
    %dma_start3A_80 = tpu.memref_squeeze %dma_start3A_79 : memref<1x147456xf32, #tpu.memory_space<hbm>> -> memref<147456xf32, #tpu.memory_space<hbm>>
    %dma_start3A_81 = arith.constant 0 : i32
    %dma_start3A_82 = tpu.memref_slice %dma_start3A_80[%dma_start3A_81] : memref<147456xf32, #tpu.memory_space<hbm>> -> memref<147456xf32, #tpu.memory_space<hbm>>
    tpu.enqueue_indirect_dma source(%dma_start3A_82 : memref<147456xf32, #tpu.memory_space<hbm>>) target(%dma_start3A_77 : memref<4096xf32, #tpu.memory_space<vmem>>) offsets(%arg6 : memref<4096xi32, #tpu.memory_space<vmem>>) semaphore(%arg8 : memref<!tpu.dma_semaphore, #tpu.memory_space<semaphore_mem>>)
    %add3A_83 = arith.constant 7 : i32
    %add3A_84 = arith.addi %mul3A_6, %add3A_83 : i32
    %dma_start3A_85 = arith.constant 7 : i32
    %dma_start3A_86 = arith.constant 0 : i32
    %dma_start3A_87 = tpu.memref_slice %arg7[%dma_start3A_85, %dma_start3A_86] : memref<12x4096xf32, #tpu.memory_space<vmem>> -> memref<1x4096xf32, #tpu.memory_space<vmem>>
    %dma_start3A_88 = tpu.memref_squeeze %dma_start3A_87 : memref<1x4096xf32, #tpu.memory_space<vmem>> -> memref<4096xf32, #tpu.memory_space<vmem>>
    %dma_start3A_89 = arith.constant 0 : i32
    %dma_start3A_90 = tpu.memref_slice %arg2[%add3A_84, %dma_start3A_89] : memref<384x147456xf32, #tpu.memory_space<hbm>> -> memref<1x147456xf32, #tpu.memory_space<hbm>>
    %dma_start3A_91 = tpu.memref_squeeze %dma_start3A_90 : memref<1x147456xf32, #tpu.memory_space<hbm>> -> memref<147456xf32, #tpu.memory_space<hbm>>
    %dma_start3A_92 = arith.constant 0 : i32
    %dma_start3A_93 = tpu.memref_slice %dma_start3A_91[%dma_start3A_92] : memref<147456xf32, #tpu.memory_space<hbm>> -> memref<147456xf32, #tpu.memory_space<hbm>>
    tpu.enqueue_indirect_dma source(%dma_start3A_93 : memref<147456xf32, #tpu.memory_space<hbm>>) target(%dma_start3A_88 : memref<4096xf32, #tpu.memory_space<vmem>>) offsets(%arg6 : memref<4096xi32, #tpu.memory_space<vmem>>) semaphore(%arg8 : memref<!tpu.dma_semaphore, #tpu.memory_space<semaphore_mem>>)
    %add3A_94 = arith.constant 8 : i32
    %add3A_95 = arith.addi %mul3A_6, %add3A_94 : i32
    %dma_start3A_96 = arith.constant 8 : i32
    %dma_start3A_97 = arith.constant 0 : i32
    %dma_start3A_98 = tpu.memref_slice %arg7[%dma_start3A_96, %dma_start3A_97] : memref<12x4096xf32, #tpu.memory_space<vmem>> -> memref<1x4096xf32, #tpu.memory_space<vmem>>
    %dma_start3A_99 = tpu.memref_squeeze %dma_start3A_98 : memref<1x4096xf32, #tpu.memory_space<vmem>> -> memref<4096xf32, #tpu.memory_space<vmem>>
    %dma_start3A_100 = arith.constant 0 : i32
    %dma_start3A_101 = tpu.memref_slice %arg2[%add3A_95, %dma_start3A_100] : memref<384x147456xf32, #tpu.memory_space<hbm>> -> memref<1x147456xf32, #tpu.memory_space<hbm>>
    %dma_start3A_102 = tpu.memref_squeeze %dma_start3A_101 : memref<1x147456xf32, #tpu.memory_space<hbm>> -> memref<147456xf32, #tpu.memory_space<hbm>>
    %dma_start3A_103 = arith.constant 0 : i32
    %dma_start3A_104 = tpu.memref_slice %dma_start3A_102[%dma_start3A_103] : memref<147456xf32, #tpu.memory_space<hbm>> -> memref<147456xf32, #tpu.memory_space<hbm>>
    tpu.enqueue_indirect_dma source(%dma_start3A_104 : memref<147456xf32, #tpu.memory_space<hbm>>) target(%dma_start3A_99 : memref<4096xf32, #tpu.memory_space<vmem>>) offsets(%arg6 : memref<4096xi32, #tpu.memory_space<vmem>>) semaphore(%arg8 : memref<!tpu.dma_semaphore, #tpu.memory_space<semaphore_mem>>)
    %add3A_105 = arith.constant 9 : i32
    %add3A_106 = arith.addi %mul3A_6, %add3A_105 : i32
    %dma_start3A_107 = arith.constant 9 : i32
    %dma_start3A_108 = arith.constant 0 : i32
    %dma_start3A_109 = tpu.memref_slice %arg7[%dma_start3A_107, %dma_start3A_108] : memref<12x4096xf32, #tpu.memory_space<vmem>> -> memref<1x4096xf32, #tpu.memory_space<vmem>>
    %dma_start3A_110 = tpu.memref_squeeze %dma_start3A_109 : memref<1x4096xf32, #tpu.memory_space<vmem>> -> memref<4096xf32, #tpu.memory_space<vmem>>
    %dma_start3A_111 = arith.constant 0 : i32
    %dma_start3A_112 = tpu.memref_slice %arg2[%add3A_106, %dma_start3A_111] : memref<384x147456xf32, #tpu.memory_space<hbm>> -> memref<1x147456xf32, #tpu.memory_space<hbm>>
    %dma_start3A_113 = tpu.memref_squeeze %dma_start3A_112 : memref<1x147456xf32, #tpu.memory_space<hbm>> -> memref<147456xf32, #tpu.memory_space<hbm>>
    %dma_start3A_114 = arith.constant 0 : i32
    %dma_start3A_115 = tpu.memref_slice %dma_start3A_113[%dma_start3A_114] : memref<147456xf32, #tpu.memory_space<hbm>> -> memref<147456xf32, #tpu.memory_space<hbm>>
    tpu.enqueue_indirect_dma source(%dma_start3A_115 : memref<147456xf32, #tpu.memory_space<hbm>>) target(%dma_start3A_110 : memref<4096xf32, #tpu.memory_space<vmem>>) offsets(%arg6 : memref<4096xi32, #tpu.memory_space<vmem>>) semaphore(%arg8 : memref<!tpu.dma_semaphore, #tpu.memory_space<semaphore_mem>>)
    %add3A_116 = arith.constant 10 : i32
    %add3A_117 = arith.addi %mul3A_6, %add3A_116 : i32
    %dma_start3A_118 = arith.constant 10 : i32
    %dma_start3A_119 = arith.constant 0 : i32
    %dma_start3A_120 = tpu.memref_slice %arg7[%dma_start3A_118, %dma_start3A_119] : memref<12x4096xf32, #tpu.memory_space<vmem>> -> memref<1x4096xf32, #tpu.memory_space<vmem>>
    %dma_start3A_121 = tpu.memref_squeeze %dma_start3A_120 : memref<1x4096xf32, #tpu.memory_space<vmem>> -> memref<4096xf32, #tpu.memory_space<vmem>>
    %dma_start3A_122 = arith.constant 0 : i32
    %dma_start3A_123 = tpu.memref_slice %arg2[%add3A_117, %dma_start3A_122] : memref<384x147456xf32, #tpu.memory_space<hbm>> -> memref<1x147456xf32, #tpu.memory_space<hbm>>
    %dma_start3A_124 = tpu.memref_squeeze %dma_start3A_123 : memref<1x147456xf32, #tpu.memory_space<hbm>> -> memref<147456xf32, #tpu.memory_space<hbm>>
    %dma_start3A_125 = arith.constant 0 : i32
    %dma_start3A_126 = tpu.memref_slice %dma_start3A_124[%dma_start3A_125] : memref<147456xf32, #tpu.memory_space<hbm>> -> memref<147456xf32, #tpu.memory_space<hbm>>
    tpu.enqueue_indirect_dma source(%dma_start3A_126 : memref<147456xf32, #tpu.memory_space<hbm>>) target(%dma_start3A_121 : memref<4096xf32, #tpu.memory_space<vmem>>) offsets(%arg6 : memref<4096xi32, #tpu.memory_space<vmem>>) semaphore(%arg8 : memref<!tpu.dma_semaphore, #tpu.memory_space<semaphore_mem>>)
    %add3A_127 = arith.constant 11 : i32
    %add3A_128 = arith.addi %mul3A_6, %add3A_127 : i32
    %dma_start3A_129 = arith.constant 11 : i32
    %dma_start3A_130 = arith.constant 0 : i32
    %dma_start3A_131 = tpu.memref_slice %arg7[%dma_start3A_129, %dma_start3A_130] : memref<12x4096xf32, #tpu.memory_space<vmem>> -> memref<1x4096xf32, #tpu.memory_space<vmem>>
    %dma_start3A_132 = tpu.memref_squeeze %dma_start3A_131 : memref<1x4096xf32, #tpu.memory_space<vmem>> -> memref<4096xf32, #tpu.memory_space<vmem>>
    %dma_start3A_133 = arith.constant 0 : i32
    %dma_start3A_134 = tpu.memref_slice %arg2[%add3A_128, %dma_start3A_133] : memref<384x147456xf32, #tpu.memory_space<hbm>> -> memref<1x147456xf32, #tpu.memory_space<hbm>>
    %dma_start3A_135 = tpu.memref_squeeze %dma_start3A_134 : memref<1x147456xf32, #tpu.memory_space<hbm>> -> memref<147456xf32, #tpu.memory_space<hbm>>
    %dma_start3A_136 = arith.constant 0 : i32
    %dma_start3A_137 = tpu.memref_slice %dma_start3A_135[%dma_start3A_136] : memref<147456xf32, #tpu.memory_space<hbm>> -> memref<147456xf32, #tpu.memory_space<hbm>>
    tpu.enqueue_indirect_dma source(%dma_start3A_137 : memref<147456xf32, #tpu.memory_space<hbm>>) target(%dma_start3A_132 : memref<4096xf32, #tpu.memory_space<vmem>>) offsets(%arg6 : memref<4096xi32, #tpu.memory_space<vmem>>) semaphore(%arg8 : memref<!tpu.dma_semaphore, #tpu.memory_space<semaphore_mem>>)
    %add3A_138 = arith.constant 0 : i32
    %add3A_139 = arith.addi %mul3A_6, %add3A_138 : i32
    %dma_wait3A = arith.constant 0 : i32
    %dma_wait3A_140 = arith.constant 0 : i32
    %dma_wait3A_141 = tpu.memref_slice %arg7[%dma_wait3A, %dma_wait3A_140] : memref<12x4096xf32, #tpu.memory_space<vmem>> -> memref<1x4096xf32, #tpu.memory_space<vmem>>
    %dma_wait3A_142 = tpu.memref_squeeze %dma_wait3A_141 : memref<1x4096xf32, #tpu.memory_space<vmem>> -> memref<4096xf32, #tpu.memory_space<vmem>>
    %dma_wait3A_143 = arith.constant 0 : i32
    %dma_wait3A_144 = tpu.memref_slice %arg2[%add3A_139, %dma_wait3A_143] : memref<384x147456xf32, #tpu.memory_space<hbm>> -> memref<1x147456xf32, #tpu.memory_space<hbm>>
    %dma_wait3A_145 = tpu.memref_squeeze %dma_wait3A_144 : memref<1x147456xf32, #tpu.memory_space<hbm>> -> memref<147456xf32, #tpu.memory_space<hbm>>
    %dma_wait3A_146 = arith.constant 0 : i32
    %dma_wait3A_147 = tpu.memref_slice %dma_wait3A_145[%dma_wait3A_146] : memref<147456xf32, #tpu.memory_space<hbm>> -> memref<147456xf32, #tpu.memory_space<hbm>>
    tpu.wait_indirect_dma semaphore(%arg8 : memref<!tpu.dma_semaphore, #tpu.memory_space<semaphore_mem>>) src(%dma_wait3A_147 : memref<147456xf32, #tpu.memory_space<hbm>>) dst(%dma_wait3A_142 : memref<4096xf32, #tpu.memory_space<vmem>>)
    %add3A_148 = arith.constant 1 : i32
    %add3A_149 = arith.addi %mul3A_6, %add3A_148 : i32
    %dma_wait3A_150 = arith.constant 1 : i32
    %dma_wait3A_151 = arith.constant 0 : i32
    %dma_wait3A_152 = tpu.memref_slice %arg7[%dma_wait3A_150, %dma_wait3A_151] : memref<12x4096xf32, #tpu.memory_space<vmem>> -> memref<1x4096xf32, #tpu.memory_space<vmem>>
    %dma_wait3A_153 = tpu.memref_squeeze %dma_wait3A_152 : memref<1x4096xf32, #tpu.memory_space<vmem>> -> memref<4096xf32, #tpu.memory_space<vmem>>
    %dma_wait3A_154 = arith.constant 0 : i32
    %dma_wait3A_155 = tpu.memref_slice %arg2[%add3A_149, %dma_wait3A_154] : memref<384x147456xf32, #tpu.memory_space<hbm>> -> memref<1x147456xf32, #tpu.memory_space<hbm>>
    %dma_wait3A_156 = tpu.memref_squeeze %dma_wait3A_155 : memref<1x147456xf32, #tpu.memory_space<hbm>> -> memref<147456xf32, #tpu.memory_space<hbm>>
    %dma_wait3A_157 = arith.constant 0 : i32
    %dma_wait3A_158 = tpu.memref_slice %dma_wait3A_156[%dma_wait3A_157] : memref<147456xf32, #tpu.memory_space<hbm>> -> memref<147456xf32, #tpu.memory_space<hbm>>
    tpu.wait_indirect_dma semaphore(%arg8 : memref<!tpu.dma_semaphore, #tpu.memory_space<semaphore_mem>>) src(%dma_wait3A_158 : memref<147456xf32, #tpu.memory_space<hbm>>) dst(%dma_wait3A_153 : memref<4096xf32, #tpu.memory_space<vmem>>)
    %add3A_159 = arith.constant 2 : i32
    %add3A_160 = arith.addi %mul3A_6, %add3A_159 : i32
    %dma_wait3A_161 = arith.constant 2 : i32
    %dma_wait3A_162 = arith.constant 0 : i32
    %dma_wait3A_163 = tpu.memref_slice %arg7[%dma_wait3A_161, %dma_wait3A_162] : memref<12x4096xf32, #tpu.memory_space<vmem>> -> memref<1x4096xf32, #tpu.memory_space<vmem>>
    %dma_wait3A_164 = tpu.memref_squeeze %dma_wait3A_163 : memref<1x4096xf32, #tpu.memory_space<vmem>> -> memref<4096xf32, #tpu.memory_space<vmem>>
    %dma_wait3A_165 = arith.constant 0 : i32
    %dma_wait3A_166 = tpu.memref_slice %arg2[%add3A_160, %dma_wait3A_165] : memref<384x147456xf32, #tpu.memory_space<hbm>> -> memref<1x147456xf32, #tpu.memory_space<hbm>>
    %dma_wait3A_167 = tpu.memref_squeeze %dma_wait3A_166 : memref<1x147456xf32, #tpu.memory_space<hbm>> -> memref<147456xf32, #tpu.memory_space<hbm>>
    %dma_wait3A_168 = arith.constant 0 : i32
    %dma_wait3A_169 = tpu.memref_slice %dma_wait3A_167[%dma_wait3A_168] : memref<147456xf32, #tpu.memory_space<hbm>> -> memref<147456xf32, #tpu.memory_space<hbm>>
    tpu.wait_indirect_dma semaphore(%arg8 : memref<!tpu.dma_semaphore, #tpu.memory_space<semaphore_mem>>) src(%dma_wait3A_169 : memref<147456xf32, #tpu.memory_space<hbm>>) dst(%dma_wait3A_164 : memref<4096xf32, #tpu.memory_space<vmem>>)
    %add3A_170 = arith.constant 3 : i32
    %add3A_171 = arith.addi %mul3A_6, %add3A_170 : i32
    %dma_wait3A_172 = arith.constant 3 : i32
    %dma_wait3A_173 = arith.constant 0 : i32
    %dma_wait3A_174 = tpu.memref_slice %arg7[%dma_wait3A_172, %dma_wait3A_173] : memref<12x4096xf32, #tpu.memory_space<vmem>> -> memref<1x4096xf32, #tpu.memory_space<vmem>>
    %dma_wait3A_175 = tpu.memref_squeeze %dma_wait3A_174 : memref<1x4096xf32, #tpu.memory_space<vmem>> -> memref<4096xf32, #tpu.memory_space<vmem>>
    %dma_wait3A_176 = arith.constant 0 : i32
    %dma_wait3A_177 = tpu.memref_slice %arg2[%add3A_171, %dma_wait3A_176] : memref<384x147456xf32, #tpu.memory_space<hbm>> -> memref<1x147456xf32, #tpu.memory_space<hbm>>
    %dma_wait3A_178 = tpu.memref_squeeze %dma_wait3A_177 : memref<1x147456xf32, #tpu.memory_space<hbm>> -> memref<147456xf32, #tpu.memory_space<hbm>>
    %dma_wait3A_179 = arith.constant 0 : i32
    %dma_wait3A_180 = tpu.memref_slice %dma_wait3A_178[%dma_wait3A_179] : memref<147456xf32, #tpu.memory_space<hbm>> -> memref<147456xf32, #tpu.memory_space<hbm>>
    tpu.wait_indirect_dma semaphore(%arg8 : memref<!tpu.dma_semaphore, #tpu.memory_space<semaphore_mem>>) src(%dma_wait3A_180 : memref<147456xf32, #tpu.memory_space<hbm>>) dst(%dma_wait3A_175 : memref<4096xf32, #tpu.memory_space<vmem>>)
    %add3A_181 = arith.constant 4 : i32
    %add3A_182 = arith.addi %mul3A_6, %add3A_181 : i32
    %dma_wait3A_183 = arith.constant 4 : i32
    %dma_wait3A_184 = arith.constant 0 : i32
    %dma_wait3A_185 = tpu.memref_slice %arg7[%dma_wait3A_183, %dma_wait3A_184] : memref<12x4096xf32, #tpu.memory_space<vmem>> -> memref<1x4096xf32, #tpu.memory_space<vmem>>
    %dma_wait3A_186 = tpu.memref_squeeze %dma_wait3A_185 : memref<1x4096xf32, #tpu.memory_space<vmem>> -> memref<4096xf32, #tpu.memory_space<vmem>>
    %dma_wait3A_187 = arith.constant 0 : i32
    %dma_wait3A_188 = tpu.memref_slice %arg2[%add3A_182, %dma_wait3A_187] : memref<384x147456xf32, #tpu.memory_space<hbm>> -> memref<1x147456xf32, #tpu.memory_space<hbm>>
    %dma_wait3A_189 = tpu.memref_squeeze %dma_wait3A_188 : memref<1x147456xf32, #tpu.memory_space<hbm>> -> memref<147456xf32, #tpu.memory_space<hbm>>
    %dma_wait3A_190 = arith.constant 0 : i32
    %dma_wait3A_191 = tpu.memref_slice %dma_wait3A_189[%dma_wait3A_190] : memref<147456xf32, #tpu.memory_space<hbm>> -> memref<147456xf32, #tpu.memory_space<hbm>>
    tpu.wait_indirect_dma semaphore(%arg8 : memref<!tpu.dma_semaphore, #tpu.memory_space<semaphore_mem>>) src(%dma_wait3A_191 : memref<147456xf32, #tpu.memory_space<hbm>>) dst(%dma_wait3A_186 : memref<4096xf32, #tpu.memory_space<vmem>>)
    %add3A_192 = arith.constant 5 : i32
    %add3A_193 = arith.addi %mul3A_6, %add3A_192 : i32
    %dma_wait3A_194 = arith.constant 5 : i32
    %dma_wait3A_195 = arith.constant 0 : i32
    %dma_wait3A_196 = tpu.memref_slice %arg7[%dma_wait3A_194, %dma_wait3A_195] : memref<12x4096xf32, #tpu.memory_space<vmem>> -> memref<1x4096xf32, #tpu.memory_space<vmem>>
    %dma_wait3A_197 = tpu.memref_squeeze %dma_wait3A_196 : memref<1x4096xf32, #tpu.memory_space<vmem>> -> memref<4096xf32, #tpu.memory_space<vmem>>
    %dma_wait3A_198 = arith.constant 0 : i32
    %dma_wait3A_199 = tpu.memref_slice %arg2[%add3A_193, %dma_wait3A_198] : memref<384x147456xf32, #tpu.memory_space<hbm>> -> memref<1x147456xf32, #tpu.memory_space<hbm>>
    %dma_wait3A_200 = tpu.memref_squeeze %dma_wait3A_199 : memref<1x147456xf32, #tpu.memory_space<hbm>> -> memref<147456xf32, #tpu.memory_space<hbm>>
    %dma_wait3A_201 = arith.constant 0 : i32
    %dma_wait3A_202 = tpu.memref_slice %dma_wait3A_200[%dma_wait3A_201] : memref<147456xf32, #tpu.memory_space<hbm>> -> memref<147456xf32, #tpu.memory_space<hbm>>
    tpu.wait_indirect_dma semaphore(%arg8 : memref<!tpu.dma_semaphore, #tpu.memory_space<semaphore_mem>>) src(%dma_wait3A_202 : memref<147456xf32, #tpu.memory_space<hbm>>) dst(%dma_wait3A_197 : memref<4096xf32, #tpu.memory_space<vmem>>)
    %add3A_203 = arith.constant 6 : i32
    %add3A_204 = arith.addi %mul3A_6, %add3A_203 : i32
    %dma_wait3A_205 = arith.constant 6 : i32
    %dma_wait3A_206 = arith.constant 0 : i32
    %dma_wait3A_207 = tpu.memref_slice %arg7[%dma_wait3A_205, %dma_wait3A_206] : memref<12x4096xf32, #tpu.memory_space<vmem>> -> memref<1x4096xf32, #tpu.memory_space<vmem>>
    %dma_wait3A_208 = tpu.memref_squeeze %dma_wait3A_207 : memref<1x4096xf32, #tpu.memory_space<vmem>> -> memref<4096xf32, #tpu.memory_space<vmem>>
    %dma_wait3A_209 = arith.constant 0 : i32
    %dma_wait3A_210 = tpu.memref_slice %arg2[%add3A_204, %dma_wait3A_209] : memref<384x147456xf32, #tpu.memory_space<hbm>> -> memref<1x147456xf32, #tpu.memory_space<hbm>>
    %dma_wait3A_211 = tpu.memref_squeeze %dma_wait3A_210 : memref<1x147456xf32, #tpu.memory_space<hbm>> -> memref<147456xf32, #tpu.memory_space<hbm>>
    %dma_wait3A_212 = arith.constant 0 : i32
    %dma_wait3A_213 = tpu.memref_slice %dma_wait3A_211[%dma_wait3A_212] : memref<147456xf32, #tpu.memory_space<hbm>> -> memref<147456xf32, #tpu.memory_space<hbm>>
    tpu.wait_indirect_dma semaphore(%arg8 : memref<!tpu.dma_semaphore, #tpu.memory_space<semaphore_mem>>) src(%dma_wait3A_213 : memref<147456xf32, #tpu.memory_space<hbm>>) dst(%dma_wait3A_208 : memref<4096xf32, #tpu.memory_space<vmem>>)
    %add3A_214 = arith.constant 7 : i32
    %add3A_215 = arith.addi %mul3A_6, %add3A_214 : i32
    %dma_wait3A_216 = arith.constant 7 : i32
    %dma_wait3A_217 = arith.constant 0 : i32
    %dma_wait3A_218 = tpu.memref_slice %arg7[%dma_wait3A_216, %dma_wait3A_217] : memref<12x4096xf32, #tpu.memory_space<vmem>> -> memref<1x4096xf32, #tpu.memory_space<vmem>>
    %dma_wait3A_219 = tpu.memref_squeeze %dma_wait3A_218 : memref<1x4096xf32, #tpu.memory_space<vmem>> -> memref<4096xf32, #tpu.memory_space<vmem>>
    %dma_wait3A_220 = arith.constant 0 : i32
    %dma_wait3A_221 = tpu.memref_slice %arg2[%add3A_215, %dma_wait3A_220] : memref<384x147456xf32, #tpu.memory_space<hbm>> -> memref<1x147456xf32, #tpu.memory_space<hbm>>
    %dma_wait3A_222 = tpu.memref_squeeze %dma_wait3A_221 : memref<1x147456xf32, #tpu.memory_space<hbm>> -> memref<147456xf32, #tpu.memory_space<hbm>>
    %dma_wait3A_223 = arith.constant 0 : i32
    %dma_wait3A_224 = tpu.memref_slice %dma_wait3A_222[%dma_wait3A_223] : memref<147456xf32, #tpu.memory_space<hbm>> -> memref<147456xf32, #tpu.memory_space<hbm>>
    tpu.wait_indirect_dma semaphore(%arg8 : memref<!tpu.dma_semaphore, #tpu.memory_space<semaphore_mem>>) src(%dma_wait3A_224 : memref<147456xf32, #tpu.memory_space<hbm>>) dst(%dma_wait3A_219 : memref<4096xf32, #tpu.memory_space<vmem>>)
    %add3A_225 = arith.constant 8 : i32
    %add3A_226 = arith.addi %mul3A_6, %add3A_225 : i32
    %dma_wait3A_227 = arith.constant 8 : i32
    %dma_wait3A_228 = arith.constant 0 : i32
    %dma_wait3A_229 = tpu.memref_slice %arg7[%dma_wait3A_227, %dma_wait3A_228] : memref<12x4096xf32, #tpu.memory_space<vmem>> -> memref<1x4096xf32, #tpu.memory_space<vmem>>
    %dma_wait3A_230 = tpu.memref_squeeze %dma_wait3A_229 : memref<1x4096xf32, #tpu.memory_space<vmem>> -> memref<4096xf32, #tpu.memory_space<vmem>>
    %dma_wait3A_231 = arith.constant 0 : i32
    %dma_wait3A_232 = tpu.memref_slice %arg2[%add3A_226, %dma_wait3A_231] : memref<384x147456xf32, #tpu.memory_space<hbm>> -> memref<1x147456xf32, #tpu.memory_space<hbm>>
    %dma_wait3A_233 = tpu.memref_squeeze %dma_wait3A_232 : memref<1x147456xf32, #tpu.memory_space<hbm>> -> memref<147456xf32, #tpu.memory_space<hbm>>
    %dma_wait3A_234 = arith.constant 0 : i32
    %dma_wait3A_235 = tpu.memref_slice %dma_wait3A_233[%dma_wait3A_234] : memref<147456xf32, #tpu.memory_space<hbm>> -> memref<147456xf32, #tpu.memory_space<hbm>>
    tpu.wait_indirect_dma semaphore(%arg8 : memref<!tpu.dma_semaphore, #tpu.memory_space<semaphore_mem>>) src(%dma_wait3A_235 : memref<147456xf32, #tpu.memory_space<hbm>>) dst(%dma_wait3A_230 : memref<4096xf32, #tpu.memory_space<vmem>>)
    %add3A_236 = arith.constant 9 : i32
    %add3A_237 = arith.addi %mul3A_6, %add3A_236 : i32
    %dma_wait3A_238 = arith.constant 9 : i32
    %dma_wait3A_239 = arith.constant 0 : i32
    %dma_wait3A_240 = tpu.memref_slice %arg7[%dma_wait3A_238, %dma_wait3A_239] : memref<12x4096xf32, #tpu.memory_space<vmem>> -> memref<1x4096xf32, #tpu.memory_space<vmem>>
    %dma_wait3A_241 = tpu.memref_squeeze %dma_wait3A_240 : memref<1x4096xf32, #tpu.memory_space<vmem>> -> memref<4096xf32, #tpu.memory_space<vmem>>
    %dma_wait3A_242 = arith.constant 0 : i32
    %dma_wait3A_243 = tpu.memref_slice %arg2[%add3A_237, %dma_wait3A_242] : memref<384x147456xf32, #tpu.memory_space<hbm>> -> memref<1x147456xf32, #tpu.memory_space<hbm>>
    %dma_wait3A_244 = tpu.memref_squeeze %dma_wait3A_243 : memref<1x147456xf32, #tpu.memory_space<hbm>> -> memref<147456xf32, #tpu.memory_space<hbm>>
    %dma_wait3A_245 = arith.constant 0 : i32
    %dma_wait3A_246 = tpu.memref_slice %dma_wait3A_244[%dma_wait3A_245] : memref<147456xf32, #tpu.memory_space<hbm>> -> memref<147456xf32, #tpu.memory_space<hbm>>
    tpu.wait_indirect_dma semaphore(%arg8 : memref<!tpu.dma_semaphore, #tpu.memory_space<semaphore_mem>>) src(%dma_wait3A_246 : memref<147456xf32, #tpu.memory_space<hbm>>) dst(%dma_wait3A_241 : memref<4096xf32, #tpu.memory_space<vmem>>)
    %add3A_247 = arith.constant 10 : i32
    %add3A_248 = arith.addi %mul3A_6, %add3A_247 : i32
    %dma_wait3A_249 = arith.constant 10 : i32
    %dma_wait3A_250 = arith.constant 0 : i32
    %dma_wait3A_251 = tpu.memref_slice %arg7[%dma_wait3A_249, %dma_wait3A_250] : memref<12x4096xf32, #tpu.memory_space<vmem>> -> memref<1x4096xf32, #tpu.memory_space<vmem>>
    %dma_wait3A_252 = tpu.memref_squeeze %dma_wait3A_251 : memref<1x4096xf32, #tpu.memory_space<vmem>> -> memref<4096xf32, #tpu.memory_space<vmem>>
    %dma_wait3A_253 = arith.constant 0 : i32
    %dma_wait3A_254 = tpu.memref_slice %arg2[%add3A_248, %dma_wait3A_253] : memref<384x147456xf32, #tpu.memory_space<hbm>> -> memref<1x147456xf32, #tpu.memory_space<hbm>>
    %dma_wait3A_255 = tpu.memref_squeeze %dma_wait3A_254 : memref<1x147456xf32, #tpu.memory_space<hbm>> -> memref<147456xf32, #tpu.memory_space<hbm>>
    %dma_wait3A_256 = arith.constant 0 : i32
    %dma_wait3A_257 = tpu.memref_slice %dma_wait3A_255[%dma_wait3A_256] : memref<147456xf32, #tpu.memory_space<hbm>> -> memref<147456xf32, #tpu.memory_space<hbm>>
    tpu.wait_indirect_dma semaphore(%arg8 : memref<!tpu.dma_semaphore, #tpu.memory_space<semaphore_mem>>) src(%dma_wait3A_257 : memref<147456xf32, #tpu.memory_space<hbm>>) dst(%dma_wait3A_252 : memref<4096xf32, #tpu.memory_space<vmem>>)
    %add3A_258 = arith.constant 11 : i32
    %add3A_259 = arith.addi %mul3A_6, %add3A_258 : i32
    %dma_wait3A_260 = arith.constant 11 : i32
    %dma_wait3A_261 = arith.constant 0 : i32
    %dma_wait3A_262 = tpu.memref_slice %arg7[%dma_wait3A_260, %dma_wait3A_261] : memref<12x4096xf32, #tpu.memory_space<vmem>> -> memref<1x4096xf32, #tpu.memory_space<vmem>>
    %dma_wait3A_263 = tpu.memref_squeeze %dma_wait3A_262 : memref<1x4096xf32, #tpu.memory_space<vmem>> -> memref<4096xf32, #tpu.memory_space<vmem>>
    %dma_wait3A_264 = arith.constant 0 : i32
    %dma_wait3A_265 = tpu.memref_slice %arg2[%add3A_259, %dma_wait3A_264] : memref<384x147456xf32, #tpu.memory_space<hbm>> -> memref<1x147456xf32, #tpu.memory_space<hbm>>
    %dma_wait3A_266 = tpu.memref_squeeze %dma_wait3A_265 : memref<1x147456xf32, #tpu.memory_space<hbm>> -> memref<147456xf32, #tpu.memory_space<hbm>>
    %dma_wait3A_267 = arith.constant 0 : i32
    %dma_wait3A_268 = tpu.memref_slice %dma_wait3A_266[%dma_wait3A_267] : memref<147456xf32, #tpu.memory_space<hbm>> -> memref<147456xf32, #tpu.memory_space<hbm>>
    tpu.wait_indirect_dma semaphore(%arg8 : memref<!tpu.dma_semaphore, #tpu.memory_space<semaphore_mem>>) src(%dma_wait3A_268 : memref<147456xf32, #tpu.memory_space<hbm>>) dst(%dma_wait3A_263 : memref<4096xf32, #tpu.memory_space<vmem>>)
    "tpu.region"() ({
      %run_scoped3A = tpu.sem_alloc : memref<!tpu.dma_semaphore, #tpu.memory_space<semaphore_mem>>
      %dma_start3A_269 = arith.constant 0 : i32
      %dma_start3A_270 = tpu.memref_slice %arg4[%mul3A_6, %dma_start3A_269] : memref<384x4096xf32, #tpu.memory_space<hbm>> -> memref<12x4096xf32, #tpu.memory_space<hbm>>
      %dma_start3A_271 = arith.constant 0 : i32
      %dma_start3A_272 = tpu.memref_slice %arg4[%mul3A_6, %dma_start3A_271] : memref<384x4096xf32, #tpu.memory_space<hbm>> -> memref<12x4096xf32, #tpu.memory_space<hbm>>
      tpu.enqueue_dma source(%arg7 : memref<12x4096xf32, #tpu.memory_space<vmem>>) target(%dma_start3A_272 : memref<12x4096xf32, #tpu.memory_space<hbm>>) target_semaphore(%run_scoped3A : memref<!tpu.dma_semaphore, #tpu.memory_space<semaphore_mem>>)
      %dma_wait3A_273 = arith.constant 0 : i32
      %dma_wait3A_274 = tpu.memref_slice %arg4[%mul3A_6, %dma_wait3A_273] : memref<384x4096xf32, #tpu.memory_space<hbm>> -> memref<12x4096xf32, #tpu.memory_space<hbm>>
      %dma_wait3A_275 = arith.constant 0 : i32
      %dma_wait3A_276 = tpu.memref_slice %arg4[%mul3A_6, %dma_wait3A_275] : memref<384x4096xf32, #tpu.memory_space<hbm>> -> memref<12x4096xf32, #tpu.memory_space<hbm>>
      tpu.wait_dma2 semaphore(%run_scoped3A : memref<!tpu.dma_semaphore, #tpu.memory_space<semaphore_mem>>) src(%arg7 : memref<12x4096xf32, #tpu.memory_space<vmem>>) dst(%dma_wait3A_276 : memref<12x4096xf32, #tpu.memory_space<hbm>>)
      tpu.yield
    }) : () -> ()
    return
  }
}

</mosaic_0001>

<sc_bundles>
// kernel: _sc_gather.3.cloned.1.call-start
scs
__scs_entry_jumppad:
0x0: {  	(pc) =	sbr.rel $0x88, $3  }
0x1: {  	(tag) =	ssettag $0x0;
	lr =	simm.s32 $0x1  }
0x2: {  	[smem:$0x3F9F] =	sst lr;
	_ =	strace $0xD0000000  }
0x3: {  	_ = 	snop  }
0x4: {  	_ = 	snop  }
0x5: {  	_ = 	snop  }
0x6: {  	_ = 	snop  }
0x7: {  	_ = 	snop  }
__scs_overlays_trampoline_lowered:
0x8: {  	[smem:$0x3FAE] =	sst s0  }
0x9: {  	[smem:$0x3FAF] =	sst s1  }
0xa: {  	[smem:$0x3FB0] =	sst s2  }
0xb: {  	[smem:$0x3FB1] =	sst s3  }
0xc: {  	[smem:$0x3FB2] =	sst s4  }
0xd: {  	[smem:$0x3FB3] =	sst s5  }
0xe: {  	[smem:$0x3FB4] =	sst s6  }
0xf: {  	[smem:$0x3FB5] =	sst s7  }
0x10: {  	[smem:$0x3FB6] =	sst s8  }
0x11: {  	[smem:$0x3FB7] =	sst s9;
	s0 =	simm.s32 @!p0 $0x0  }
0x12: {  	s1 =	sld [smem:$0x3F9D];
	s0 =	simm.s32 @p0 $0x1  }
0x13: {  	[smem:$0x3FB8] =	sst s0;
	s0 =	simm.s32 @!p1 $0x0  }
0x14: {  	s2 =	sld [smem:$0x3F9C];
	s0 =	simm.s32 @p1 $0x1  }
0x15: {  	[smem:$0x3FB9] =	sst s0;
	s0 =	simm.s32 @!p2 $0x0  }
0x16: {  	s3 =	sld [smem:$0x3FDB];
	s0 =	simm.s32 @p2 $0x1  }
0x17: {  	s4 =	simm.s32 $0x1BF5;
	[smem:$0x3FBB] =	sst s0  }
0x18: {  	s0 =	sld [smem:$0x3F9E];
	_ =	swait.ge [sflag:s4], $0x0  }
0x19: {  	s7 =	sld [smem:$0x3F9F]  }
0x1a: {  	s8 =	sadd.s32 $0xFFFFE003, lr  }
0x1b: {  	s9 =	sadd.s32 $0xFFFFFEF7, lr;
	s5 =	simm.s32 $0xFFFFFFFF;
	p2 =	slt.u32 s8, $0xFFFFF086  }
0x1c: {  	p1 =	slt.u32 s9, $0xF7A;
	s5 =	simm.s32 @!p2 $0x0  }
0x1d: {  	s5 =	simm.s32 @p1 $0x1;
	p0 =	seq.s32 s7, s2  }
0x1e: {  	s7 =	smul.u32 @!p0 $0xF7A, s2;
	p2 =	seq.s32 @!p0 s5, $0x0  }
0x1f: {  	s9 =	smul.u32 $0xF7A, s1;
	s8 =	simm.s32 @!p0 $0x1BF5;
	p2 =	por !p2, p0  }
0x20: {  	[sflag:s8] =	ssyncset.s32 @!p0 $0xFFFFF086;
	s6 =	sadd.s32 @!p0 s3, s7;
	s7 =	simm.s32 @!p0 $0x108  }
0x21: {  	s3 =	sadd.s32 s3, s9;
	s6 =	sadd.s32 @!p0 $0x88, s6;
	s7 =	simm.s32 @p2 $0x1082  }
0x22: {  	[simem:s7], [sflag:s8] =	dma.local @!p0 [hbm:s6], $0xF7A  }
0x23: {  	s9 =	sor.u32 $0xD0000000, s2;
	s6 =	simm.s32 $0x108;
	_ =	swait.ge @!p0 [sflag:s8], $0x0  }
0x24: {  	s3 =	sadd.s32 $0x88, s3;
	s6 =	simm.s32 @!p1 $0x1082;
	[sflag:s4] =	ssyncset.s32 $0xFFFFF086  }
0x25: {  	[simem:s6], [sflag:s4] =	dma.local [hbm:s3], $0xF7A  }
0x26: {  	[smem:$0x3F9F] =	sst s1;
	(tag) =	ssettag s2;
	_ =	strace s9  }
0x27: {  	s1 =	sld [smem:$0x3FAF]  }
0x28: {  	s2 =	sld [smem:$0x3FB0]  }
0x29: {  	s4 =	sld [smem:$0x3FB2]  }
0x2a: {  	p0 =	seq.s32 s5, $0x0;
	s5 =	sld [smem:$0x3FB3]  }
0x2b: {  	s6 =	sld [smem:$0x3FB4]  }
0x2c: {  	s7 =	sld [smem:$0x3FB5]  }
0x2d: {  	s3 =	simm.s32 $0x108;
	s8 =	sld [smem:$0x3FB6]  }
0x2e: {  	s3 =	simm.s32 @!p0 $0x1082;
	s9 =	sld [smem:$0x3FB7]  }
0x2f: {  	lr =	sadd.s32 s0, s3;
	s0 =	sld [smem:$0x3FAE]  }
0x30: {  	s3 =	sld [smem:$0x3FB1]  }
0x31: {  	[smem:$0x3FBA] =	sst s10  }
0x32: {  	s10 =	sld [smem:$0x3FB8];
	_ =	sdelay $0x3  }
0x33: {  	p0 =	seq.s32 s10, $0x1;
	s10 =	sld [smem:$0x3FBA];
	_ =	sdelay $0x3  }
0x34: {  	[smem:$0x3FBA] =	sst s10  }
0x35: {  	s10 =	sld [smem:$0x3FB9];
	_ =	sdelay $0x3  }
0x36: {  	p1 =	seq.s32 s10, $0x1;
	s10 =	sld [smem:$0x3FBA];
	_ =	sdelay $0x3  }
0x37: {  	[smem:$0x3FBA] =	sst s10  }
0x38: {  	s10 =	sld [smem:$0x3FBB]  }
0x39: {  	_ = 	snop;
	(pc) =	sbr.ind lr, $3  }
0x3a: {  	_ = 	snop  }
0x3b: {  	_ = 	snop  }
0x3c: {  	p2 =	seq.s32 s10, $0x1;
	s10 =	sld [smem:$0x3FBA]  }
0x3d: {  	_ =	shalt  }
0x3e: {  	_ =	shalt  }
0x3f: {  	_ =	shalt  }
0x40: {  	_ =	shalt  }
0x41: {  	_ =	shalt  }
0x42: {  	_ =	shalt  }
0x43: {  	_ =	shalt  }
0x44: {  	_ =	shalt  }
0x45: {  	_ =	shalt  }
0x46: {  	_ =	shalt  }
0x47: {  	_ =	shalt  }
0x48: {  	_ =	shalt  }
0x49: {  	_ =	shalt  }
0x4a: {  	_ =	shalt  }
0x4b: {  	_ =	shalt  }
0x4c: {  	_ =	shalt  }
0x4d: {  	_ =	shalt  }
0x4e: {  	_ =	shalt  }
0x4f: {  	_ =	shalt  }
0x50: {  	_ =	shalt  }
0x51: {  	_ =	shalt  }
0x52: {  	_ =	shalt  }
0x53: {  	_ =	shalt  }
0x54: {  	_ =	shalt  }
0x55: {  	_ =	shalt  }
0x56: {  	_ =	shalt  }
0x57: {  	_ =	shalt  }
0x58: {  	_ =	shalt  }
0x59: {  	_ =	shalt  }
0x5a: {  	_ =	shalt  }
0x5b: {  	_ =	shalt  }
0x5c: {  	_ =	shalt  }
0x5d: {  	_ =	shalt  }
0x5e: {  	_ =	shalt  }
0x5f: {  	_ =	shalt  }
0x60: {  	_ =	shalt  }
0x61: {  	_ =	shalt  }
0x62: {  	_ =	shalt  }
0x63: {  	_ =	shalt  }
0x64: {  	_ =	shalt  }
0x65: {  	_ =	shalt  }
0x66: {  	_ =	shalt  }
0x67: {  	_ =	shalt  }
0x68: {  	_ =	shalt  }
0x69: {  	_ =	shalt  }
0x6a: {  	_ =	shalt  }
0x6b: {  	_ =	shalt  }
0x6c: {  	_ =	shalt  }
0x6d: {  	_ =	shalt  }
0x6e: {  	_ =	shalt  }
0x6f: {  	_ =	shalt  }
0x70: {  	_ =	shalt  }
0x71: {  	_ =	shalt  }
0x72: {  	_ =	shalt  }
0x73: {  	_ =	shalt  }
0x74: {  	_ =	shalt  }
0x75: {  	_ =	shalt  }
0x76: {  	_ =	shalt  }
0x77: {  	_ =	shalt  }
0x78: {  	_ =	shalt  }
0x79: {  	_ =	shalt  }
0x7a: {  	_ =	shalt  }
0x7b: {  	_ =	shalt  }
0x7c: {  	_ =	shalt  }
0x7d: {  	_ =	shalt  }
0x7e: {  	_ =	shalt  }
0x7f: {  	_ =	shalt  }
0x80: {  	_ =	shalt  }
0x81: {  	_ =	shalt  }
0x82: {  	_ =	shalt  }
0x83: {  	_ =	shalt  }
0x84: {  	_ =	shalt  }
0x85: {  	_ =	shalt  }
0x86: {  	_ =	shalt  }
0x87: {  	_ =	shalt  }
.Lfunc_end0:
.L_simem_size_0:
called_computation.1_lowered:
.L_overlay_start_0:
0x88: {  	s2 =	sld [smem:$0x3FD9]  }
0x89: {  	s3 =	sld [smem:$0x3FFE];
	_ =	sdelay $0x1  }
0x8a: {  	s1 =	srdreg.scid  }
0x8b: {  	s0 =	sand.u32 $0x1, s1  }
0x8c: {  	s17 =	sshll.u32 s0, $0xA;
	s2 =	sadd.s32 s3, s2  }
0x8d: {  	s2 =	sadd.s32 s2, s17  }
0x8e: {  	[smem:$0x3FC6] =	sst s2  }
0x8f: {  	_ = 	snop  }
0x90: {  	s2 =	sld [smem:$0x3FD0];
	(tm) =	ssettm $0x1  }
0x91: {  	s18 =	sld [smem:$0x3FFB];
	_ =	sdelay $0x3  }
0x92: {  	_ =	strace s18  }
0x93: {  	s3 =	sld [smem:$0x3FFC];
	_ =	sdelay $0x3  }
0x94: {  	_ =	strace s3  }
0x95: {  	s3 =	sld [smem:$0x3FFD];
	_ =	sdelay $0x3  }
0x96: {  	_ =	strace s3  }
0x97: {  	_ =	strace $0x8FFFFFFF  }
0x98: {  	s19 =	sld [smem:$0x3FDB];
	_ =	sdelay $0x1  }
0x99: {  	s4 =	simm.s32 $_scs_section_size  }
0x9a: {  	s5 =	simm.s32 $_size__tile_overlayer_lowered;
	s6 =	simm.s32 $_tile_overlayer_lowered  }
0x9b: {  	s22 =	simm.s32 $0x1BFF;
	s21 =	sshll.u32 s6, $0x1;
	s3 =	sadd.s32 s4, s19  }
0x9c: {  	s7 =	simm.s32 $0x0;
	s20 =	sshll.u32 s5, $0x1;
	s5 =	sadd.s32 s21, s3  }
0x9d: {  	[timem:s7], [sflag:s22] =	dma.local [hbm:s5], s20  }
0x9e: {  	_ =	swait.ge [sflag:s22], s20  }
0x9f: {  	s4 =	ssub.s32 $0x0, s20;
	[sflag:s22] =	ssyncset.done $0x0  }
0xa0: {  	[sflag:s22] =	ssyncadd.s32 s4;
	_ =	sdelay $0x1  }
0xa1: {  	s23 =	simm.s32 $0x1B8B  }
0xa2: {  	_ =	swait.ge [sflag:s23], $0x1  }
0xa3: {  	[sflag:s23] =	ssyncset.done $0x0  }
0xa4: {  	s25 =	simm.s32 $0x1B8E;
	s24 =	sld [smem:$0x3FFE];
	[sflag:s23] =	ssyncadd.s32 $0xFFFFFFFF  }
0xa5: {  	s26 =	simm.s32 $execute0_lowered;
	[smem:$0x3FD2] =	sst s25  }
0xa6: {  	s5 =	sshll.u32 s26, $0x1;
	_ =	strace $0x80000049;
	[dreg:$0x1] =	wrdreg $0xFFFFFFFF  }
0xa7: {  	s28 =	simm.s32 $_size_execute0_lowered;
	s3 =	sadd.s32 s3, s5;
	[dreg:$0x0] =	wrdreg $0x0  }
0xa8: {  	s5 =	sshll.u32 s28, $0x1;
	[dreg:$0x2] =	wrdreg s3  }
0xa9: {  	[dreg:$0x3] =	wrdreg s5  }
0xaa: {  	[dreg:$0x4] =	wrdreg $0xC0  }
0xab: {  	_ =	task [dreg:s7], $0x5FFFF  }
0xac: {  	[dreg:$0x1] =	wrdreg $0xFFFFFFFF  }
0xad: {  	[dreg:$0x0] =	wrdreg $0x60  }
0xae: {  	[dreg:$0x2] =	wrdreg s24  }
0xaf: {  	[dreg:$0x3] =	wrdreg s2  }
0xb0: {  	[dreg:$0x4] =	wrdreg $0x9  }
0xb1: {  	_ =	task.clear_ibuf [dreg:s7], $0x5FFFF;
	_ =	strace $0x90000049  }
0xb2: {  	s29 =	simm.s32 $0x9;
	_ =	strace $0x8000004B  }
0xb3: {  	_ =	swait.ge [sflag:s29], $0x1  }
0xb4: {  	[sflag:s29] =	ssyncadd.s32 $0xFFFFFFFF  }
0xb5: {  	_ =	strace $0x9000004B  }
0xb6: {  	_ =	sfence  }
0xb7: {  	s30 =	sld [smem:$0x0];
	_ =	sdelay $0x2  }
0xb8: {  	s31 =	sshll.u32 s1, $0xD;
	s1 =	sshrl.u32 s1, $0x2  }
0xb9: {  	s3 =	sand.u32 $0x4000, s31;
	s1 =	sadd.s32 s1, s30  }
0xba: {  	s0 =	sor.u32 s3, s0;
	s1 =	sshll.u32 s1, $0x11  }
0xbb: {  	s0 =	sor.u32 s1, s0  }
0xbc: {  	s0 =	sadd.s32 $0x8F2B, s0  }
0xbd: {  	[sflag:s0] =	ssyncadd.remote.s32 $0x1  }
0xbe: {  	_ =	sfence.sel $0xFFFF  }
0xbf: {  	[dreg:$0x0] =	wrdreg $0xFFFFFFFF;
	(pc) =	sbr.abs _section_cstart, $3  }
0xc0: {  	[dreg:$0x1] =	wrdreg $0xFFFFFFFF  }
0xc1: {  	_ =	task.clear_ibuf [dreg:s7], $0x2FFFF;
	_ =	strace $0x9FFFFFFF  }
0xc2: {  	(tm) =	ssettm $0x7FFFFFFF  }
0xc3: {  	_ =	shalt  }
tec
execute0_lowered:
.L_overlay_start_1:
0x0: {  	(tag) =	ssettag $0x1  }
0x1: {  	s0 =	rddreg [dreg:$0x0]  }
0x2: {  	s1 =	srdreg.scid;
	s2 =	stileid.u32;
	s3 =	simm.s32 $0x0  }
0x3: {  	s18 =	simm.s32 $0x2;
	s19 =	simm.s32 $0x1000;
	s20 =	simm.s32 $0x2000  }
0x4: {  	s21 =	simm.s32 $0x3000;
	s1 =	sand.u32 $0x1, s1;
	s2 =	sshll.u32 s2, $0x1  }
0x5: {  	s28 =	simm.s32 $0x9000;
	s29 =	simm.s32 $0xA000;
	s2 =	sor.u32 s1, s2  }
0x6: {  	s30 =	simm.s32 $0xB000;
	s31 =	simm.s32 $0xC000;
	s4 =	smul.u32 $0x1800, s2  }
0x7: {  	s22 =	simm.s32 $0x0;
	s1 =	ssub.s32 $0x2, s1;
	s5 =	smul.u32 $0x1B0000, s2  }
0x8: {  	[smem:$0x7FF] =	sst s3;
	s2 =	smul.u32 $0x36000, s2;
	s25 =	sshrl.u32 s1, $0x1  }
0x9: {  	s6 =	sadd.s32 $0xA00, s0;
	_ =	strace $0x8000004A;
	s1 =	ssub.s32 s1, s25  }
0xa: {  	s0 =	sadd.s32 s4, s0;
	s5 =	sshrl.u32 s5, $0x3;
	s4 =	sadd.s32 s6, s2  }
0xb: {  	s17 =	smax.u32 s1, $0x1;
	s1 =	simm.s32 $0xD000;
	s2 =	simm.s32 $0x1  }
0xc: {  	s26 =	sadd.s32 s6, s5;
	s16 =	sadd.s32 $0x6C0A00, s0;
	s0 =	simm.s32 $0xE000  }
0xd: {  	s5 =	sadd.s32 $0x4800, s26;
	s6 =	sadd.s32 $0x9000, s26;
	s7 =	sadd.s32 $0xD800, s26  }
0xe: {  	s8 =	sadd.s32 $0x12000, s26;
	s9 =	sadd.s32 $0x16800, s26;
	s10 =	sadd.s32 $0x1B000, s26  }
0xf: {  	s11 =	sadd.s32 $0x1F800, s26;
	s12 =	sadd.s32 $0x24000, s26;
	s13 =	sadd.s32 $0x28800, s26  }
0x10: {  	s14 =	sadd.s32 $0x2D000, s26;
	s15 =	sadd.s32 $0x31800, s26;
	s26 =	simm.s32 $0x8000  }
.LBB2_1:
0x11: {  	s23 =	rddreg [dreg:$0x1]  }
0x12: {  	[tilespmem:s3], [sflag:$0x2] =	stream.linear.gather [hbm4b:s23+s3], $0x2000, $0x38;
	[tilespmem:$0xF000] =	vst v63  }
0x13: {  	_ =	swait.ge [sflag:s18], $0x2000  }
0x14: {  	[sflag:s18] =	ssyncset.done $0x0  }
0x15: {  	s23 =	simm.s32 $0x0;
	[sflag:s18] =	ssyncadd.s32 $0xFFFFE000  }
0x16: {  	v0 =	vld [tilespmem:s23+$0x0]  }
0x17: {  	s24 =	simm.s32 $0x40;
	v1 =	vld [tilespmem:s23+$0x1000]  }
.LBB2_2:
0x18: {  	_ = 	snop  }
0x19: {  	p0 =	sne.s32 s24, $0x3FC0  }
.Ltmp0:
0x1a: {  	_ = 	snop;
	(pc) =	sbr.rel @p0 .LBB2_2-.Ltmp0, $4  }
0x1b: {  	v2 =	vmul.u32 $0x180, v0  }
0x1c: {  	s25 =	sshra.s32 s24, $0x2  }
0x1d: {  	v0 =	vld [tilespmem:s25+$0x0];
	v2 =	vadd.s32 v1, v2  }
0x1e: {  	s24 =	sadd.s32 $0x40, s24;
	v1 =	vld [tilespmem:s25+$0x1000];
	[tilespmem:s23+$0x2000] =	vst v2;
	s23 =	smov.u32 s25  }
0x1f: {  	_ =	sdelay $0x2  }
0x20: {  	v0 =	vmul.u32 $0x180, v0;
	_ =	sdelay $0x1  }
0x21: {  	v0 =	vadd.s32 v1, v0  }
0x22: {  	[tilespmem:s23+$0x2000] =	vst v0  }
0x23: {  	[tilespmem:s21], [sflag:$0x1] =	stream.indirect.gather [hbm4b:s4+s19], $0x1, s20, s19, $0xb8;
	[tilespmem:$0xF000] =	vst v63  }
0x24: {  	s24 =	simm.s32 $0x4000  }
0x25: {  	[tilespmem:s24], [sflag:$0x1] =	stream.indirect.gather [hbm4b:s5+s19], $0x1, s20, s19, $0xb8;
	[tilespmem:$0xF000] =	vst v63  }
0x26: {  	s25 =	simm.s32 $0x5000  }
0x27: {  	[tilespmem:s25], [sflag:$0x1] =	stream.indirect.gather [hbm4b:s6+s19], $0x1, s20, s19, $0xb8;
	[tilespmem:$0xF000] =	vst v63  }
0x28: {  	s24 =	simm.s32 $0x6000  }
0x29: {  	[tilespmem:s24], [sflag:$0x1] =	stream.indirect.gather [hbm4b:s7+s19], $0x1, s20, s19, $0xb8;
	[tilespmem:$0xF000] =	vst v63  }
0x2a: {  	s25 =	simm.s32 $0x7000  }
0x2b: {  	[tilespmem:s25], [sflag:$0x1] =	stream.indirect.gather [hbm4b:s8+s19], $0x1, s20, s19, $0xb8;
	[tilespmem:$0xF000] =	vst v63  }
0x2c: {  	_ = 	snop  }
0x2d: {  	[tilespmem:s26], [sflag:$0x1] =	stream.indirect.gather [hbm4b:s9+s19], $0x1, s20, s19, $0xb8;
	[tilespmem:$0xF000] =	vst v63  }
0x2e: {  	_ = 	snop  }
0x2f: {  	[tilespmem:s28], [sflag:$0x1] =	stream.indirect.gather [hbm4b:s10+s19], $0x1, s20, s19, $0xb8;
	[tilespmem:$0xF000] =	vst v63  }
0x30: {  	_ = 	snop  }
0x31: {  	[tilespmem:s29], [sflag:$0x1] =	stream.indirect.gather [hbm4b:s11+s19], $0x1, s20, s19, $0xb8;
	[tilespmem:$0xF000] =	vst v63  }
0x32: {  	_ = 	snop  }
0x33: {  	[tilespmem:s30], [sflag:$0x1] =	stream.indirect.gather [hbm4b:s12+s19], $0x1, s20, s19, $0xb8;
	[tilespmem:$0xF000] =	vst v63  }
0x34: {  	_ = 	snop  }
0x35: {  	[tilespmem:s31], [sflag:$0x1] =	stream.indirect.gather [hbm4b:s13+s19], $0x1, s20, s19, $0xb8;
	[tilespmem:$0xF000] =	vst v63  }
0x36: {  	_ = 	snop  }
0x37: {  	[tilespmem:s1], [sflag:$0x1] =	stream.indirect.gather [hbm4b:s14+s19], $0x1, s20, s19, $0xb8;
	[tilespmem:$0xF000] =	vst v63  }
0x38: {  	_ = 	snop  }
0x39: {  	[tilespmem:s0], [sflag:$0x1] =	stream.indirect.gather [hbm4b:s15+s19], $0x1, s20, s19, $0xb8;
	[tilespmem:$0xF000] =	vst v63  }
0x3a: {  	_ =	swait.ge [sflag:s2], $0x1000  }
0x3b: {  	[sflag:s2] =	ssyncset.done $0x0  }
0x3c: {  	[sflag:s2] =	ssyncadd.s32 $0xFFFFF000  }
0x3d: {  	_ =	swait.ge [sflag:s2], $0x1000  }
0x3e: {  	[sflag:s2] =	ssyncset.done $0x0  }
0x3f: {  	[sflag:s2] =	ssyncadd.s32 $0xFFFFF000  }
0x40: {  	_ =	swait.ge [sflag:s2], $0x1000  }
0x41: {  	[sflag:s2] =	ssyncset.done $0x0  }
0x42: {  	[sflag:s2] =	ssyncadd.s32 $0xFFFFF000  }
0x43: {  	_ =	swait.ge [sflag:s2], $0x1000  }
0x44: {  	[sflag:s2] =	ssyncset.done $0x0  }
0x45: {  	[sflag:s2] =	ssyncadd.s32 $0xFFFFF000  }
0x46: {  	_ =	swait.ge [sflag:s2], $0x1000  }
0x47: {  	[sflag:s2] =	ssyncset.done $0x0  }
0x48: {  	[sflag:s2] =	ssyncadd.s32 $0xFFFFF000  }
0x49: {  	_ =	swait.ge [sflag:s2], $0x1000  }
0x4a: {  	[sflag:s2] =	ssyncset.done $0x0  }
0x4b: {  	[sflag:s2] =	ssyncadd.s32 $0xFFFFF000  }
0x4c: {  	_ =	swait.ge [sflag:s2], $0x1000  }
0x4d: {  	[sflag:s2] =	ssyncset.done $0x0  }
0x4e: {  	[sflag:s2] =	ssyncadd.s32 $0xFFFFF000  }
0x4f: {  	_ =	swait.ge [sflag:s2], $0x1000  }
0x50: {  	[sflag:s2] =	ssyncset.done $0x0  }
0x51: {  	[sflag:s2] =	ssyncadd.s32 $0xFFFFF000  }
0x52: {  	_ =	swait.ge [sflag:s2], $0x1000  }
0x53: {  	[sflag:s2] =	ssyncset.done $0x0  }
0x54: {  	[sflag:s2] =	ssyncadd.s32 $0xFFFFF000  }
0x55: {  	_ =	swait.ge [sflag:s2], $0x1000  }
0x56: {  	[sflag:s2] =	ssyncset.done $0x0  }
0x57: {  	[sflag:s2] =	ssyncadd.s32 $0xFFFFF000  }
0x58: {  	_ =	swait.ge [sflag:s2], $0x1000  }
0x59: {  	[sflag:s2] =	ssyncset.done $0x0  }
0x5a: {  	[sflag:s2] =	ssyncadd.s32 $0xFFFFF000  }
0x5b: {  	s22 =	sadd.s32 $0x1, s22;
	_ =	swait.ge [sflag:s2], $0x1000  }
0x5c: {  	p0 =	sne.s32 s22, s17;
	[sflag:s2] =	ssyncset.done $0x0  }
.Ltmp1:
0x5d: {  	[sflag:s2] =	ssyncadd.s32 $0xFFFFF000;
	(pc) =	sbr.rel @p0 .LBB2_1-.Ltmp1, $4  }
0x5e: {  	[hbm4b:s16+s3] =	stream.linear.scatter [tilespmem:s21], [sflag:$0x2], $0xC000, $0x38;
	[tilespmem:$0xF000] =	vst v63  }
0x5f: {  	_ =	swait.ge [sflag:s18], $0xC000  }
0x60: {  	[sflag:s18] =	ssyncset.done $0x0  }
0x61: {  	[sflag:s18] =	ssyncadd.s32 $0xFFFF4000  }
0x62: {  	_ =	sfence.sel $0x180000  }
0x63: {  	[bflag:$0x0] =	sbarrier.arrive $0xFFFF  }
0x64: {  	_ =	strace $0x9000004A  }
0x65: {  	s0 =	stileid.u32;
	[bflag:$0x2] =	sbarrier.arrive $0xFFFF  }
0x66: {  	p0 =	sne.s32 s0, $0x0;
	s0 =	rddreg [dreg:$0x2]  }
0x67: {  	s0 =	sadd.s32 @!p0 $0x100000, s0  }
0x68: {  	[sflag:s0] =	ssyncadd.tile.s32 @!p0 $0x1;
	_ =	shalt  }
.Lfunc_end2:
_tile_overlayer_lowered:
.L_overlay_start_2:
0x69: {  	(tag) =	ssettag $0x2  }
0x6a: {  	s0 =	rddreg [dreg:$0x0];
	s2 =	stileid.u32  }
0x6b: {  	s1 =	rddreg [dreg:$0x1];
	p0 =	sne.s32 s2, $0x0  }
0x6c: {  	s3 =	rddreg [dreg:$0x2];
	[bflag:$0x3] =	sbarrier.arrive $0xFFFF;
	s2 =	simm.s32 @!p0 $0x1C02  }
0x6d: {  	[timem:s3], [sflag:s2] =	dma.local @!p0 [hbm:s0], s1  }
0x6e: {  	s0 =	simm.s32 @!p0 $0x2  }
0x6f: {  	_ =	swait.ge @!p0 [sflag:s0], s1  }
0x70: {  	s1 =	ssub.s32 @!p0 $0x0, s1;
	[sflag:s0] =	ssyncset.done @!p0 $0x0  }
0x71: {  	[sflag:s0] =	ssyncadd.s32 @!p0 s1  }
0x72: {  	[bflag:$0x3] =	sbarrier.arrive $0xFFFF  }
0x73: {  	_ =	shalt  }

// kernel: sparse-core-data-format-call.cloned.1.call-start
scs
called_computation_lowered:
.L_overlay_start_0:
0x0: {  	s2 =	sld [smem:$0x3FD9]  }
0x1: {  	s3 =	sld [smem:$0x3FFE];
	_ =	sdelay $0x1  }
0x2: {  	s1 =	srdreg.scid  }
0x3: {  	s0 =	sand.u32 $0x1, s1  }
0x4: {  	s18 =	sshll.u32 s0, $0xA;
	s2 =	sadd.s32 s3, s2  }
0x5: {  	s2 =	sadd.s32 s2, s18  }
0x6: {  	[smem:$0x3FC6] =	sst s2  }
0x7: {  	_ = 	snop  }
0x8: {  	s2 =	sld [smem:$0x3FC9];
	(tm) =	ssettm $0x1  }
0x9: {  	s19 =	sld [smem:$0x3FFB];
	_ =	sdelay $0x3  }
0xa: {  	_ =	strace s19  }
0xb: {  	s3 =	sld [smem:$0x3FFC];
	_ =	sdelay $0x3  }
0xc: {  	_ =	strace s3  }
0xd: {  	s3 =	sld [smem:$0x3FFD];
	_ =	sdelay $0x3  }
0xe: {  	_ =	strace s3  }
0xf: {  	_ =	strace $0x8FFFFFFF  }
0x10: {  	s20 =	sld [smem:$0x3FDB];
	_ =	sdelay $0x1  }
0x11: {  	s4 =	simm.s32 $_scs_section_size  }
0x12: {  	s5 =	simm.s32 $_size__tile_overlayer_lowered;
	s6 =	simm.s32 $_tile_overlayer_lowered  }
0x13: {  	s23 =	simm.s32 $0x1BFF;
	s22 =	sshll.u32 s6, $0x1;
	s3 =	sadd.s32 s4, s20  }
0x14: {  	s7 =	simm.s32 $0x0;
	s21 =	sshll.u32 s5, $0x1;
	s5 =	sadd.s32 s22, s3  }
0x15: {  	[timem:s7], [sflag:s23] =	dma.local [hbm:s5], s21  }
0x16: {  	_ =	swait.ge [sflag:s23], s21  }
0x17: {  	s4 =	ssub.s32 $0x0, s21;
	[sflag:s23] =	ssyncset.done $0x0  }
0x18: {  	[sflag:s23] =	ssyncadd.s32 s4;
	_ =	sdelay $0x1  }
0x19: {  	s24 =	simm.s32 $0x1B8B  }
0x1a: {  	_ =	swait.ge [sflag:s24], $0x1  }
0x1b: {  	[sflag:s24] =	ssyncset.done $0x0  }
0x1c: {  	s26 =	simm.s32 $0x1B8E;
	s25 =	sld [smem:$0x3FFE];
	[sflag:s24] =	ssyncadd.s32 $0xFFFFFFFF  }
0x1d: {  	s27 =	simm.s32 $execute0_lowered;
	[smem:$0x3FD2] =	sst s26  }
0x1e: {  	s5 =	sshll.u32 s27, $0x1;
	_ =	strace $0x80000046;
	[dreg:$0x1] =	wrdreg $0xFFFFFFFF  }
0x1f: {  	s28 =	simm.s32 $_size_execute0_lowered;
	s3 =	sadd.s32 s3, s5;
	[dreg:$0x0] =	wrdreg $0x0  }
0x20: {  	s5 =	sshll.u32 s28, $0x1;
	[dreg:$0x2] =	wrdreg s3  }
0x21: {  	[dreg:$0x3] =	wrdreg s5  }
0x22: {  	[dreg:$0x4] =	wrdreg $0xC0  }
0x23: {  	_ =	task [dreg:s7], $0x5FFFF  }
0x24: {  	[dreg:$0x1] =	wrdreg $0xFFFFFFFF  }
0x25: {  	[dreg:$0x0] =	wrdreg $0x60  }
0x26: {  	[dreg:$0x2] =	wrdreg s2  }
0x27: {  	[dreg:$0x3] =	wrdreg s25  }
0x28: {  	[dreg:$0x4] =	wrdreg $0x9  }
0x29: {  	_ =	task.clear_ibuf [dreg:s7], $0x5FFFF;
	_ =	strace $0x90000046  }
0x2a: {  	s29 =	simm.s32 $0x9;
	_ =	strace $0x80000048  }
0x2b: {  	_ =	swait.ge [sflag:s29], $0x1  }
0x2c: {  	[sflag:s29] =	ssyncadd.s32 $0xFFFFFFFF  }
0x2d: {  	_ =	strace $0x90000048  }
0x2e: {  	_ =	sfence  }
0x2f: {  	s30 =	sld [smem:$0x0];
	_ =	sdelay $0x2  }
0x30: {  	s31 =	sshll.u32 s1, $0xD;
	s1 =	sshrl.u32 s1, $0x2  }
0x31: {  	s3 =	sand.u32 $0x4000, s31;
	s1 =	sadd.s32 s1, s30  }
0x32: {  	s0 =	sor.u32 s3, s0;
	s1 =	sshll.u32 s1, $0x11  }
0x33: {  	s0 =	sor.u32 s1, s0  }
0x34: {  	s0 =	sadd.s32 $0x8F2B, s0  }
0x35: {  	[sflag:s0] =	ssyncadd.remote.s32 $0x1  }
0x36: {  	_ =	sfence.sel $0xFFFF  }
0x37: {  	[dreg:$0x0] =	wrdreg $0xFFFFFFFF;
	(pc) =	sbr.abs _section_cstart, $3  }
0x38: {  	[dreg:$0x1] =	wrdreg $0xFFFFFFFF  }
0x39: {  	_ =	task.clear_ibuf [dreg:s7], $0x2FFFF;
	_ =	strace $0x9FFFFFFF  }
0x3a: {  	(tm) =	ssettm $0x7FFFFFFF  }
0x3b: {  	_ =	shalt  }
tec
execute0_lowered:
.L_overlay_start_1:
0x0: {  	(tag) =	ssettag $0x1  }
0x1: {  	s2 =	rddreg [dreg:$0x0]  }
0x2: {  	s0 =	srdreg.scid;
	s6 =	rddreg [dreg:$0x1]  }
0x3: {  	s7 =	simm.s32 $0x2;
	s14 =	simm.s32 $0x0;
	s1 =	sshll.u32 s0, $0x4  }
0x4: {  	s8 =	simm.s32 $0x800;
	s0 =	stileid.u32;
	s1 =	sand.u32 $0x10, s1  }
0x5: {  	s9 =	simm.s32 $0x24000;
	s10 =	simm.s32 $0x0;
	s3 =	sor.u32 s0, s1  }
.Ltmp0:
0x6: {  	s15 =	simm.s32 $0x0;
	s4 =	ssub.s32 $0x4F, s3;
	(pc) =	sbr.rel .LBB1_1-.Ltmp0, $4  }
0x7: {  	s11 =	simm.s32 $0x0;
	s1 =	rddreg [dreg:$0x2];
	s5 =	sshrl.u32 s4, $0x5  }
0x8: {  	_ =	strace $0x80000047;
	s4 =	simm.s32 $0x1;
	s5 =	smul.u32 $0x48, s5  }
0x9: {  	s13 =	simm.s32 $0x0;
	s6 =	sadd.s32 $0xA00, s6;
	[sflag:s4] =	ssyncpa.u1 $0x0  }
0xa: {  	s12 =	smov.u32 s3;
	[sflag:s7] =	ssyncpa.u1 $0x0;
	s7 =	sor.u32 $0x1, s5  }
.LBB1_7:
0xb: {  	s16 =	sadd.s32 $0x10, s11  }
0xc: {  	s14 =	sadd.s32 $0x20, s12;
	s18 =	smov.u32 s12;
	p1 =	sgt.s32 s16, $0x47F  }
0xd: {  	s18 =	smov.u32 @p1 s14  }
0xe: {  	s16 =	simm.s32 @p1 $0x0;
	p1 =	sgt.s32 s18, $0x2F  }
0xf: {  	s18 =	smov.u32 @p1 s3;
	p1 =	sne.s32 s13, s7  }
.Ltmp1:
0x10: {  	p0 =	slt.u32 s13, $0x2;
	(pc) =	sbr.rel @!p1 .LBB1_8-.Ltmp1, $4  }
0x11: {  	s17 =	simm.s32 @!p0 $0x2  }
0x12: {  	s15 =	smov.u32 s12;
	s10 =	sadd.s32 $0x4000, s10;
	_ =	swait.ge @!p0 [sflag:s17], $0x4000  }
0x13: {  	s14 =	smov.u32 s11;
	[sflag:s17] =	ssyncset.done @!p0 $0x0;
	s11 =	smov.u32 s16  }
0x14: {  	s13 =	sadd.s32 $0x1, s13;
	[sflag:s17] =	ssyncadd.s32 @!p0 $0xFFFFC000;
	s12 =	smov.u32 s18  }
.LBB1_1:
0x15: {  	p0 =	sge.u32 s13, s5  }
0x16: {  	s16 =	smul.u32 @!p0 $0x24000, s12  }
0x17: {  	s31 =	sadd.s32 $0xFFFFFFFF, s13;
	s17 =	sxor.u32 @!p0 $0xFFFFFFFF, s13  }
0x18: {  	s18 =	sshll.u32 @!p0 s11, $0x7;
	s17 =	sshll.u32 @!p0 s17, $0xE;
	s16 =	sadd.s32 @!p0 s2, s16  }
0x19: {  	s17 =	sand.u32 @!p0 $0x4000, s17;
	s16 =	sadd.s32 @!p0 s18, s16;
	s18 =	simm.s32 @!p0 $0x0  }
0x1a: {  	[tilespmem:s17], [sflag:$0x1] =	stream.linear.gather @!p0 [hbm4b:s16+s18], $0x4000, $0x38;
	[tilespmem:$0x10000] =	vst v63  }
0x1b: {  	p0 =	sge.u32 s31, s5  }
.Ltmp2:
0x1c: {  	_ = 	snop;
	(pc) =	sbr.rel @p0 .LBB1_7-.Ltmp2, $1  }
0x1d: {  	_ =	sdelay $0x3  }
0x1e: {  	s16 =	sand.u32 $0x4000, s10  }
0x1f: {  	_ =	swait.ge [sflag:s4], $0x4000;
	s19 =	sshll.u32 s13, $0xE;
	s17 =	sor.u32 $0x8040, s16  }
0x20: {  	s18 =	sor.u32 $0x40, s16;
	[sflag:s4] =	ssyncset.done $0x0;
	s31 =	sand.u32 $0x4000, s19  }
0x21: {  	s19 =	simm.s32 $0x0;
	[sflag:s4] =	ssyncadd.s32 $0xFFFFC000;
	s16 =	sor.u32 $0x8000, s31  }
.LBB1_3:
0x22: {  	v0 =	vmov s18;
	_ =	sdelay $0x3  }
0x23: {  	s21 =	simm.s32 $0x0  }
0x24: {  	v6 =	vld.idx.msk [tilespmem:v0+s21+$0x30 ss:$0x1], $0xffff  }
0x25: {  	v7 =	vld.idx.msk [tilespmem:v0+s21+$0xFFFFFFC0 ss:$0x1], $0xffff  }
0x26: {  	v5 =	vld.idx.msk [tilespmem:v0+s21+$0xFFFFFFD0 ss:$0x1], $0xffff  }
0x27: {  	v4 =	vld.idx.msk [tilespmem:v0+s21+$0xFFFFFFE0 ss:$0x1], $0xffff  }
0x28: {  	v3 =	vld.idx.msk [tilespmem:v0+s21+$0xFFFFFFF0 ss:$0x1], $0xffff  }
0x29: {  	v1 =	vld.idx.msk [tilespmem:v0+s21+$0x0 ss:$0x1], $0xffff  }
0x2a: {  	v2 =	vld.idx.msk [tilespmem:v0+s21+$0x10 ss:$0x1], $0xffff;
	[tilespmem:s17+$0x30] =	vst v6  }
0x2b: {  	s20 =	simm.s32 $0x80;
	s22 =	simm.s32 $0x400;
	[tilespmem:s17+$0xFFFFFFC0] =	vst v7;
	v6 =	vld.idx.msk [tilespmem:v0+s21+$0x20 ss:$0x1], $0xffff;
	s21 =	smov.u32 s17  }
.LBB1_4:
0x2c: {  	p0 =	sne.s32 s22, $0xE00;
	v7 =	vld.idx.msk [tilespmem:v0+s20+$0x30 ss:$0x1], $0xffff;
	[tilespmem:s21+$0xFFFFFFD0] =	vst v5  }
0x2d: {  	v8 =	vld.idx.msk [tilespmem:v0+s20+$0xFFFFFFC0 ss:$0x1], $0xffff;
	[tilespmem:s21+$0xFFFFFFE0] =	vst v4  }
0x2e: {  	v5 =	vld.idx.msk [tilespmem:v0+s20+$0xFFFFFFD0 ss:$0x1], $0xffff;
	[tilespmem:s21+$0xFFFFFFF0] =	vst v3  }
.Ltmp3:
0x2f: {  	v4 =	vld.idx.msk [tilespmem:v0+s20+$0xFFFFFFE0 ss:$0x1], $0xffff;
	[tilespmem:s21+$0x0] =	vst v1;
	(pc) =	sbr.rel @p0 .LBB1_4-.Ltmp3, $4  }
0x30: {  	v3 =	vld.idx.msk [tilespmem:v0+s20+$0xFFFFFFF0 ss:$0x1], $0xffff;
	[tilespmem:s21+$0x10] =	vst v2  }
0x31: {  	v1 =	vld.idx.msk [tilespmem:v0+s20+$0x0 ss:$0x1], $0xffff;
	[tilespmem:s21+$0x20] =	vst v6;
	s21 =	sadd.s32 $0x800, s21  }
0x32: {  	v2 =	vld.idx.msk [tilespmem:v0+s20+$0x10 ss:$0x1], $0xffff;
	[tilespmem:s21+$0x30] =	vst v7  }
0x33: {  	[tilespmem:s21+$0xFFFFFFC0] =	vst v8;
	v6 =	vld.idx.msk [tilespmem:v0+s20+$0x20 ss:$0x1], $0xffff;
	s20 =	sshra.s32 s22, $0x2;
	s22 =	sadd.s32 $0x200, s22  }
0x34: {  	_ =	sdelay $0x2  }
0x35: {  	[tilespmem:s21+$0xFFFFFFD0] =	vst v5  }
0x36: {  	v56 =	vld.idx.msk [tilespmem:v0+s20+$0x30 ss:$0x1], $0xffff;
	[tilespmem:s21+$0xFFFFFFE0] =	vst v4  }
0x37: {  	v57 =	vld.idx.msk [tilespmem:v0+s20+$0xFFFFFFC0 ss:$0x1], $0xffff;
	[tilespmem:s21+$0xFFFFFFF0] =	vst v3  }
0x38: {  	v58 =	vld.idx.msk [tilespmem:v0+s20+$0xFFFFFFD0 ss:$0x1], $0xffff;
	[tilespmem:s21+$0x0] =	vst v1  }
0x39: {  	v59 =	vld.idx.msk [tilespmem:v0+s20+$0xFFFFFFE0 ss:$0x1], $0xffff;
	[tilespmem:s21+$0x10] =	vst v2  }
0x3a: {  	v60 =	vld.idx.msk [tilespmem:v0+s20+$0xFFFFFFF0 ss:$0x1], $0xffff;
	s31 =	sadd.s32 $0x800, s21;
	[tilespmem:s21+$0x20] =	vst v6  }
0x3b: {  	v61 =	vld.idx.msk [tilespmem:v0+s20+$0x0 ss:$0x1], $0xffff;
	[tilespmem:s31+$0x30] =	vst v56  }
0x3c: {  	v62 =	vld.idx.msk [tilespmem:v0+s20+$0x10 ss:$0x1], $0xffff;
	s19 =	sadd.s32 $0x1, s19;
	[tilespmem:s31+$0xFFFFFFC0] =	vst v57  }
0x3d: {  	v63 =	vld.idx.msk [tilespmem:v0+s20+$0x20 ss:$0x1], $0xffff;
	p0 =	sne.s32 s19, $0x10;
	[tilespmem:s31+$0xFFFFFFD0] =	vst v58  }
.Ltmp4:
0x3e: {  	[tilespmem:s31+$0xFFFFFFE0] =	vst v59;
	(pc) =	sbr.rel @p0 .LBB1_3-.Ltmp4, $4  }
0x3f: {  	[tilespmem:s31+$0xFFFFFFF0] =	vst v60  }
0x40: {  	[tilespmem:s31+$0x0] =	vst v61  }
0x41: {  	[tilespmem:s31+$0x10] =	vst v62  }
0x42: {  	s17 =	sadd.s32 $0x80, s17;
	s18 =	sadd.s32 $0x400, s18;
	[tilespmem:s31+$0x20] =	vst v63  }
0x43: {  	s14 =	sand.u32 $0x1FFFFFF, s14  }
0x44: {  	s17 =	smulhi.u32 $0xE38E39, s14;
	_ =	sdelay $0x1  }
0x45: {  	s15 =	smul.u32 $0x24000, s15;
	s17 =	sshrl.u32 s17, $0x2  }
0x46: {  	s17 =	smul.u32 $0x480, s17  }
.Ltmp5:
0x47: {  	_ = 	snop;
	(pc) =	sbr.rel .LBB1_7-.Ltmp5, $4  }
0x48: {  	s14 =	ssub.s32 s14, s17  }
0x49: {  	s15 =	sadd.s32 s6, s15;
	s14 =	sshll.u32 s14, $0x4  }
0x4a: {  	s14 =	sadd.s32 s14, s15  }
0x4b: {  	[hbm4b:s14+s8] =	stream.strided.scatter [tilespmem:s16], [sflag:$0x2], $0x4000, s9, s8, $0x38;
	[tilespmem:$0x10000] =	vst v63  }
.LBB1_8:
0x4c: {  	_ =	sfence.sel $0x180000  }
0x4d: {  	s2 =	simm.s32 $0x1;
	[bflag:$0x0] =	sbarrier.arrive $0xFFFF  }
0x4e: {  	s31 =	simm.s32 $0x2;
	[sflag:s2] =	ssyncpa.u1 $0x1  }
0x4f: {  	[sflag:s31] =	ssyncpa.u1 $0x1  }
0x50: {  	p0 =	sne.s32 s0, $0x0;
	_ =	strace $0x90000047  }
0x51: {  	s0 =	sadd.s32 @!p0 $0x100000, s1;
	[bflag:$0x2] =	sbarrier.arrive $0xFFFF  }
0x52: {  	[sflag:s0] =	ssyncadd.tile.s32 @!p0 $0x1;
	_ =	shalt  }
.Lfunc_end1:
_tile_overlayer_lowered:
.L_overlay_start_2:
0x53: {  	(tag) =	ssettag $0x2  }
0x54: {  	s0 =	rddreg [dreg:$0x0];
	s2 =	stileid.u32  }
0x55: {  	s1 =	rddreg [dreg:$0x1];
	p0 =	sne.s32 s2, $0x0  }
0x56: {  	s3 =	rddreg [dreg:$0x2];
	[bflag:$0x3] =	sbarrier.arrive $0xFFFF;
	s2 =	simm.s32 @!p0 $0x1C01  }
0x57: {  	[timem:s3], [sflag:s2] =	dma.local @!p0 [hbm:s0], s1  }
0x58: {  	s0 =	simm.s32 @!p0 $0x1  }
0x59: {  	_ =	swait.ge @!p0 [sflag:s0], s1  }
0x5a: {  	s1 =	ssub.s32 @!p0 $0x0, s1;
	[sflag:s0] =	ssyncset.done @!p0 $0x0  }
0x5b: {  	[sflag:s0] =	ssyncadd.s32 @!p0 s1  }
0x5c: {  	[bflag:$0x3] =	sbarrier.arrive $0xFFFF  }
0x5d: {  	_ =	shalt  }

</sc_bundles>
